<compile_context>
chip_gen: v7x
topology: tpu7x:2x2x1
jax: 0.10.2.dev20260603
libtpu: 0.0.44.dev20260713+nightly
codegen_flags: <defaults>
</compile_context>

<pallas_src>
import functools

import jax
import jax.numpy as jnp
from jax import lax
from jax.experimental import pallas as pl
from jax.experimental.pallas import tpu as pltpu
from jax.experimental.pallas import tpu_sc as plsc

_H = 16
_S = 2048
_T = 2 * _S - 1
_WW = 4096
_LANES = 16
_NSC = 2
_NSUB = 16
_PHASES = _H // _NSC
_NA = 31


def _expand_body(biast_hbm, out_hbm, bias_v, u_v, sem):
    c = lax.axis_index("c")
    s = lax.axis_index("s")

    pltpu.sync_copy(
        biast_hbm.at[pl.ds(c * _PHASES * _WW, _PHASES * _WW)], bias_v)

    lanes = lax.iota(jnp.int32, _LANES)

    def drain_blocks(n):
        def body(_, carry):
            pltpu.make_async_copy(
                u_v.at[0, pl.ds(0, 128)],
                out_hbm.at[0, 0], sem).wait()
            return carry
        lax.fori_loop(0, n, body, 0)

    def phase(p, carry):
        h = c * _PHASES + p
        buf = p & 1

        @pl.when(p >= 2)
        def _():
            drain_blocks(_NSUB)

        vec0 = (p * _WW + 3967) + 8 * s - lanes

        def build(a, carry):
            base = vec0 - 128 * a
            for r in range(8):
                for ci0 in range(0, 128, _LANES):
                    vals = plsc.load_gather(bias_v, [base + (r - ci0)])
                    u_v[buf, 8 * a + r, pl.ds(ci0, _LANES)] = vals
            return carry
        lax.fori_loop(0, _NA, build, 0)

        def issue(t, carry):
            q = s + _NSUB * t
            pltpu.async_copy(
                u_v.at[buf, pl.ds(8 * (15 - t), 128)],
                out_hbm.at[h, q], sem)
            return carry
        lax.fori_loop(0, _NSUB, issue, 0)
        return carry

    lax.fori_loop(0, _PHASES, phase, 0)

    drain_blocks(2 * _NSUB)


@functools.partial(
    pl.kernel,
    out_type=jax.ShapeDtypeStruct((_H, _S // 8, 8 * _NSUB, 128),
                                  jnp.float32),
    mesh=plsc.VectorSubcoreMesh(core_axis_name="c", subcore_axis_name="s"),
    compiler_params=pltpu.CompilerParams(needs_layout_passes=False),
    scratch_types=[
        pltpu.VMEM((_PHASES * _WW,), jnp.float32),
        pltpu.VMEM((2, 8 * _NA, 128), jnp.float32),
        pltpu.SemaphoreType.DMA,
    ],
)
def _expand(biast_hbm, out_hbm, bias_v, u_v, sem):
    _expand_body(biast_hbm, out_hbm, bias_v, u_v, sem)


def kernel(seq_len, bias):
    del seq_len
    biast = jnp.pad(bias.T, ((0, 0), (0, 1))).reshape(-1)
    out4 = _expand(biast)
    out5 = out4.reshape(_H, _S // 8, _NSUB, 8, 128)
    return jnp.transpose(out5, (0, 1, 3, 2, 4)).reshape(_H, _S, _S)

# --- scband reference (transcript-rebuilt; emitter-appended) ---
"""Pipeline reference for scband-relative-position-bias-66760971649639 (READ-ONLY COPY).

The authoritative reference and input builder live on the scoring server;
editing this copy changes nothing except your own understanding.
"""

import jax, jax.numpy as jnp
import numpy as np

NUM_HEADS = 16
MAX_DISTANCE = 2048
SEQ_LEN = 2048

def setup_inputs(seed: int = 0) -> dict:
    key = jax.random.key(seed)
    bias = jax.random.normal(key, (2 * MAX_DISTANCE - 1, NUM_HEADS), dtype=jnp.float32) * 0.02
    return {"seq_len": SEQ_LEN, "bias": bias}

def reference(seq_len, bias):
    # Faithful translation of RelativePositionBias.forward
    pos = jnp.arange(SEQ_LEN) + (seq_len - SEQ_LEN)
    rel = pos[:, None] - pos[None, :]
    rel = jnp.clip(rel, -MAX_DISTANCE + 1, MAX_DISTANCE - 1)
    rel = rel + MAX_DISTANCE - 1
    out = jnp.take(bias, rel, axis=0)  # [S, S, H] gather from bias table
    return jnp.transpose(out, (2, 0, 1)).astype(jnp.float32)  # [H, S, S]

if __name__ == "__main__":
    import jax
    _d = setup_inputs()
    print(jax.jit(kernel)(*tuple(_d.values())))

</pallas_src>

<mosaic_0001>
#map = affine_map<(d0, d1) -> (0)>
#map1 = affine_map<(d0, d1) -> (0, 0, 0, 0)>
module attributes {stable_mosaic.version = 14 : i64} {
  func.func @_expand(%arg0: i32, %arg1: i32, %arg2: memref<65536xf32, #tpu.memory_space<hbm>>, %arg3: memref<16x256x128x128xf32, #tpu.memory_space<hbm>>, %arg4: memref<32768xf32, #tpu.memory_space<vmem>>, %arg5: memref<2x248x128xf32, #tpu.memory_space<vmem>>, %arg6: memref<!tpu.dma_semaphore, #tpu.memory_space<semaphore_mem>>) attributes {dimension_semantics = [#tpu.dimension_semantics<core_parallel>, #tpu.dimension_semantics<subcore_parallel>], iteration_bounds = array<i64: 2, 16>, scalar_prefetch = 0 : i64, scratch_operands = 3 : i64, tpu.core_type = #tpu.core_type<sc_vector_subcore>, window_params = [{transform_indices = #map}, {transform_indices = #map1}]} {
    %mul3A = arith.constant 8 : i32
    %mul3A_0 = arith.muli %arg0, %mul3A : i32
    %mul3A_1 = arith.constant 4096 : i32
    %mul3A_2 = arith.muli %mul3A_0, %mul3A_1 : i32
    "tpu.region"() ({
      %run_scoped3A = tpu.sem_alloc : memref<!tpu.dma_semaphore, #tpu.memory_space<semaphore_mem>>
      %dma_start3A = tpu.memref_slice %arg2[%mul3A_2] : memref<65536xf32, #tpu.memory_space<hbm>> -> memref<32768xf32, #tpu.memory_space<hbm>>
      %dma_start3A_14 = tpu.memref_slice %arg2[%mul3A_2] : memref<65536xf32, #tpu.memory_space<hbm>> -> memref<32768xf32, #tpu.memory_space<hbm>>
      tpu.enqueue_dma source(%dma_start3A_14 : memref<32768xf32, #tpu.memory_space<hbm>>) target(%arg4 : memref<32768xf32, #tpu.memory_space<vmem>>) target_semaphore(%run_scoped3A : memref<!tpu.dma_semaphore, #tpu.memory_space<semaphore_mem>>)
      %dma_wait3A = tpu.memref_slice %arg2[%mul3A_2] : memref<65536xf32, #tpu.memory_space<hbm>> -> memref<32768xf32, #tpu.memory_space<hbm>>
      %dma_wait3A_15 = tpu.memref_slice %arg2[%mul3A_2] : memref<65536xf32, #tpu.memory_space<hbm>> -> memref<32768xf32, #tpu.memory_space<hbm>>
      tpu.wait_dma2 semaphore(%run_scoped3A : memref<!tpu.dma_semaphore, #tpu.memory_space<semaphore_mem>>) src(%dma_wait3A_15 : memref<32768xf32, #tpu.memory_space<hbm>>) dst(%arg4 : memref<32768xf32, #tpu.memory_space<vmem>>)
      tpu.yield
    }) : () -> ()
    %iota3A = tpu.iota {dimensions = array<i32: 0>} : vector<16xi32>
    %scan3A = arith.constant 0 : i32
    %scan3A_3 = arith.constant 0 : i32
    %scan3A_4 = arith.constant 8 : i32
    %scan3A_5 = arith.addi %scan3A_3, %scan3A_4 : i32
    %scan3A_6 = arith.constant 1 : i32
    scf.for %scan3A_14 = %scan3A_3 to %scan3A_5 step %scan3A_6  : i32 {
      %mul3A_15 = arith.constant 8 : i32
      %mul3A_16 = arith.muli %arg0, %mul3A_15 : i32
      %add3A = arith.addi %mul3A_16, %scan3A_14 : i32
      %and3A = arith.constant 1 : i32
      %and3A_17 = arith.andi %scan3A_14, %and3A : i32
      %ge3A = arith.constant 2 : i32
      %ge3A_18 = arith.cmpi sge, %scan3A_14, %ge3A : i32
      %convert_element_type3A = arith.extui %ge3A_18 : i1 to i32
      %cond3A = arith.constant 0 : i32
      %cond3A_19 = arith.cmpi ne, %convert_element_type3A, %cond3A : i32
      scf.if %cond3A_19 {
        %scan3A_40 = arith.constant 0 : i32
        %scan3A_41 = arith.constant 0 : i32
        %scan3A_42 = arith.constant 16 : i32
        %scan3A_43 = arith.addi %scan3A_41, %scan3A_42 : i32
        %scan3A_44 = arith.constant 1 : i32
        scf.for %scan3A_46 = %scan3A_41 to %scan3A_43 step %scan3A_44  : i32 {
          %dma_wait3A = arith.constant 0 : i32
          %dma_wait3A_47 = arith.constant 0 : i32
          %dma_wait3A_48 = arith.constant 0 : i32
          %dma_wait3A_49 = arith.constant 0 : i32
          %dma_wait3A_50 = arith.constant 0 : i32
          %dma_wait3A_51 = tpu.memref_slice %arg5[%dma_wait3A, %dma_wait3A_49, %dma_wait3A_50] : memref<2x248x128xf32, #tpu.memory_space<vmem>> -> memref<1x128x128xf32, #tpu.memory_space<vmem>>
          %dma_wait3A_52 = tpu.memref_squeeze %dma_wait3A_51 : memref<1x128x128xf32, #tpu.memory_space<vmem>> -> memref<128x128xf32, #tpu.memory_space<vmem>>
          %dma_wait3A_53 = arith.constant 0 : i32
          %dma_wait3A_54 = arith.constant 0 : i32
          %dma_wait3A_55 = tpu.memref_slice %arg3[%dma_wait3A_47, %dma_wait3A_48, %dma_wait3A_53, %dma_wait3A_54] : memref<16x256x128x128xf32, #tpu.memory_space<hbm>> -> memref<1x1x128x128xf32, #tpu.memory_space<hbm>>
          %dma_wait3A_56 = tpu.memref_squeeze %dma_wait3A_55 : memref<1x1x128x128xf32, #tpu.memory_space<hbm>> -> memref<128x128xf32, #tpu.memory_space<hbm>>
          %dma_wait3A_57 = arith.constant 0 : i32
          %dma_wait3A_58 = arith.constant 0 : i32
          %dma_wait3A_59 = tpu.memref_slice %arg3[%dma_wait3A_47, %dma_wait3A_48, %dma_wait3A_57, %dma_wait3A_58] : memref<16x256x128x128xf32, #tpu.memory_space<hbm>> -> memref<1x1x128x128xf32, #tpu.memory_space<hbm>>
          %dma_wait3A_60 = tpu.memref_squeeze %dma_wait3A_59 : memref<1x1x128x128xf32, #tpu.memory_space<hbm>> -> memref<128x128xf32, #tpu.memory_space<hbm>>
          %dma_wait3A_61 = arith.constant 0 : i32
          %dma_wait3A_62 = arith.constant 0 : i32
          %dma_wait3A_63 = tpu.memref_slice %arg5[%dma_wait3A, %dma_wait3A_61, %dma_wait3A_62] : memref<2x248x128xf32, #tpu.memory_space<vmem>> -> memref<1x128x128xf32, #tpu.memory_space<vmem>>
          %dma_wait3A_64 = tpu.memref_squeeze %dma_wait3A_63 : memref<1x128x128xf32, #tpu.memory_space<vmem>> -> memref<128x128xf32, #tpu.memory_space<vmem>>
          tpu.wait_dma2 semaphore(%arg6 : memref<!tpu.dma_semaphore, #tpu.memory_space<semaphore_mem>>) src(%dma_wait3A_64 : memref<128x128xf32, #tpu.memory_space<vmem>>) dst(%dma_wait3A_60 : memref<128x128xf32, #tpu.memory_space<hbm>>)
        }
        %scan3A_45 = arith.constant 16 : i32
      } else {
      }
      %mul3A_20 = arith.constant 4096 : i32
      %mul3A_21 = arith.muli %scan3A_14, %mul3A_20 : i32
      %add3A_22 = arith.constant 3967 : i32
      %add3A_23 = arith.addi %mul3A_21, %add3A_22 : i32
      %mul3A_24 = arith.constant 8 : i32
      %mul3A_25 = arith.muli %mul3A_24, %arg1 : i32
      %add3A_26 = arith.addi %add3A_23, %mul3A_25 : i32
      %sub3A = vector.broadcast %add3A_26 : i32 to vector<16xi32>
      %sub3A_27 = arith.subi %sub3A, %iota3A : vector<16xi32>
      %scan3A_28 = arith.constant 0 : i32
      %scan3A_29 = arith.constant 0 : i32
      %scan3A_30 = arith.constant 31 : i32
      %scan3A_31 = arith.addi %scan3A_29, %scan3A_30 : i32
      %scan3A_32 = arith.constant 1 : i32
      scf.for %scan3A_40 = %scan3A_29 to %scan3A_31 step %scan3A_32  : i32 {
        %mul3A_41 = arith.constant 128 : i32
        %mul3A_42 = arith.muli %mul3A_41, %scan3A_40 : i32
        %sub3A_43 = vector.broadcast %mul3A_42 : i32 to vector<16xi32>
        %sub3A_44 = arith.subi %sub3A_27, %sub3A_43 : vector<16xi32>
        %add3A_45 = arith.constant 0 : i32
        %add3A_46 = vector.broadcast %add3A_45 : i32 to vector<16xi32>
        %add3A_47 = arith.addi %sub3A_44, %add3A_46 : vector<16xi32>
        %gather3A = tpu.vector_load_idx %arg4[%add3A_47] : memref<32768xf32, #tpu.memory_space<vmem>>[vector<16xi32>], vector<16xf32>,
        %mul3A_48 = arith.constant 8 : i32
        %mul3A_49 = arith.muli %mul3A_48, %scan3A_40 : i32
        %add3A_50 = arith.constant 0 : i32
        %add3A_51 = arith.addi %mul3A_49, %add3A_50 : i32
        %swap3A = arith.index_cast %and3A_17 : i32 to index
        %swap3A_52 = arith.index_cast %add3A_51 : i32 to index
        %swap3A_53 = arith.constant 0 : index
        %swap3A_54 = tpu.vector_load %arg5[%swap3A, %swap3A_52, %swap3A_53] {strides = array<i32>} : memref<2x248x128xf32, #tpu.memory_space<vmem>>, vector<16xf32>,
        tpu.vector_store %arg5[%swap3A, %swap3A_52, %swap3A_53], %gather3A {strides = array<i32>} : memref<2x248x128xf32, #tpu.memory_space<vmem>>, vector<16xf32>,
        %add3A_55 = arith.constant -16 : i32
        %add3A_56 = vector.broadcast %add3A_55 : i32 to vector<16xi32>
        %add3A_57 = arith.addi %sub3A_44, %add3A_56 : vector<16xi32>
        %gather3A_58 = tpu.vector_load_idx %arg4[%add3A_57] : memref<32768xf32, #tpu.memory_space<vmem>>[vector<16xi32>], vector<16xf32>,
        %mul3A_59 = arith.constant 8 : i32
        %mul3A_60 = arith.muli %mul3A_59, %scan3A_40 : i32
        %add3A_61 = arith.constant 0 : i32
        %add3A_62 = arith.addi %mul3A_60, %add3A_61 : i32
        %swap3A_63 = arith.index_cast %and3A_17 : i32 to index
        %swap3A_64 = arith.index_cast %add3A_62 : i32 to index
        %swap3A_65 = arith.constant 16 : index
        %swap3A_66 = tpu.vector_load %arg5[%swap3A_63, %swap3A_64, %swap3A_65] {strides = array<i32>} : memref<2x248x128xf32, #tpu.memory_space<vmem>>, vector<16xf32>,
        tpu.vector_store %arg5[%swap3A_63, %swap3A_64, %swap3A_65], %gather3A_58 {strides = array<i32>} : memref<2x248x128xf32, #tpu.memory_space<vmem>>, vector<16xf32>,
        %add3A_67 = arith.constant -32 : i32
        %add3A_68 = vector.broadcast %add3A_67 : i32 to vector<16xi32>
        %add3A_69 = arith.addi %sub3A_44, %add3A_68 : vector<16xi32>
        %gather3A_70 = tpu.vector_load_idx %arg4[%add3A_69] : memref<32768xf32, #tpu.memory_space<vmem>>[vector<16xi32>], vector<16xf32>,
        %mul3A_71 = arith.constant 8 : i32
        %mul3A_72 = arith.muli %mul3A_71, %scan3A_40 : i32
        %add3A_73 = arith.constant 0 : i32
        %add3A_74 = arith.addi %mul3A_72, %add3A_73 : i32
        %swap3A_75 = arith.index_cast %and3A_17 : i32 to index
        %swap3A_76 = arith.index_cast %add3A_74 : i32 to index
        %swap3A_77 = arith.constant 32 : index
        %swap3A_78 = tpu.vector_load %arg5[%swap3A_75, %swap3A_76, %swap3A_77] {strides = array<i32>} : memref<2x248x128xf32, #tpu.memory_space<vmem>>, vector<16xf32>,
        tpu.vector_store %arg5[%swap3A_75, %swap3A_76, %swap3A_77], %gather3A_70 {strides = array<i32>} : memref<2x248x128xf32, #tpu.memory_space<vmem>>, vector<16xf32>,
        %add3A_79 = arith.constant -48 : i32
        %add3A_80 = vector.broadcast %add3A_79 : i32 to vector<16xi32>
        %add3A_81 = arith.addi %sub3A_44, %add3A_80 : vector<16xi32>
        %gather3A_82 = tpu.vector_load_idx %arg4[%add3A_81] : memref<32768xf32, #tpu.memory_space<vmem>>[vector<16xi32>], vector<16xf32>,
        %mul3A_83 = arith.constant 8 : i32
        %mul3A_84 = arith.muli %mul3A_83, %scan3A_40 : i32
        %add3A_85 = arith.constant 0 : i32
        %add3A_86 = arith.addi %mul3A_84, %add3A_85 : i32
        %swap3A_87 = arith.index_cast %and3A_17 : i32 to index
        %swap3A_88 = arith.index_cast %add3A_86 : i32 to index
        %swap3A_89 = arith.constant 48 : index
        %swap3A_90 = tpu.vector_load %arg5[%swap3A_87, %swap3A_88, %swap3A_89] {strides = array<i32>} : memref<2x248x128xf32, #tpu.memory_space<vmem>>, vector<16xf32>,
        tpu.vector_store %arg5[%swap3A_87, %swap3A_88, %swap3A_89], %gather3A_82 {strides = array<i32>} : memref<2x248x128xf32, #tpu.memory_space<vmem>>, vector<16xf32>,
        %add3A_91 = arith.constant -64 : i32
        %add3A_92 = vector.broadcast %add3A_91 : i32 to vector<16xi32>
        %add3A_93 = arith.addi %sub3A_44, %add3A_92 : vector<16xi32>
        %gather3A_94 = tpu.vector_load_idx %arg4[%add3A_93] : memref<32768xf32, #tpu.memory_space<vmem>>[vector<16xi32>], vector<16xf32>,
        %mul3A_95 = arith.constant 8 : i32
        %mul3A_96 = arith.muli %mul3A_95, %scan3A_40 : i32
        %add3A_97 = arith.constant 0 : i32
        %add3A_98 = arith.addi %mul3A_96, %add3A_97 : i32
        %swap3A_99 = arith.index_cast %and3A_17 : i32 to index
        %swap3A_100 = arith.index_cast %add3A_98 : i32 to index
        %swap3A_101 = arith.constant 64 : index
        %swap3A_102 = tpu.vector_load %arg5[%swap3A_99, %swap3A_100, %swap3A_101] {strides = array<i32>} : memref<2x248x128xf32, #tpu.memory_space<vmem>>, vector<16xf32>,
        tpu.vector_store %arg5[%swap3A_99, %swap3A_100, %swap3A_101], %gather3A_94 {strides = array<i32>} : memref<2x248x128xf32, #tpu.memory_space<vmem>>, vector<16xf32>,
        %add3A_103 = arith.constant -80 : i32
        %add3A_104 = vector.broadcast %add3A_103 : i32 to vector<16xi32>
        %add3A_105 = arith.addi %sub3A_44, %add3A_104 : vector<16xi32>
        %gather3A_106 = tpu.vector_load_idx %arg4[%add3A_105] : memref<32768xf32, #tpu.memory_space<vmem>>[vector<16xi32>], vector<16xf32>,
        %mul3A_107 = arith.constant 8 : i32
        %mul3A_108 = arith.muli %mul3A_107, %scan3A_40 : i32
        %add3A_109 = arith.constant 0 : i32
        %add3A_110 = arith.addi %mul3A_108, %add3A_109 : i32
        %swap3A_111 = arith.index_cast %and3A_17 : i32 to index
        %swap3A_112 = arith.index_cast %add3A_110 : i32 to index
        %swap3A_113 = arith.constant 80 : index
        %swap3A_114 = tpu.vector_load %arg5[%swap3A_111, %swap3A_112, %swap3A_113] {strides = array<i32>} : memref<2x248x128xf32, #tpu.memory_space<vmem>>, vector<16xf32>,
        tpu.vector_store %arg5[%swap3A_111, %swap3A_112, %swap3A_113], %gather3A_106 {strides = array<i32>} : memref<2x248x128xf32, #tpu.memory_space<vmem>>, vector<16xf32>,
        %add3A_115 = arith.constant -96 : i32
        %add3A_116 = vector.broadcast %add3A_115 : i32 to vector<16xi32>
        %add3A_117 = arith.addi %sub3A_44, %add3A_116 : vector<16xi32>
        %gather3A_118 = tpu.vector_load_idx %arg4[%add3A_117] : memref<32768xf32, #tpu.memory_space<vmem>>[vector<16xi32>], vector<16xf32>,
        %mul3A_119 = arith.constant 8 : i32
        %mul3A_120 = arith.muli %mul3A_119, %scan3A_40 : i32
        %add3A_121 = arith.constant 0 : i32
        %add3A_122 = arith.addi %mul3A_120, %add3A_121 : i32
        %swap3A_123 = arith.index_cast %and3A_17 : i32 to index
        %swap3A_124 = arith.index_cast %add3A_122 : i32 to index
        %swap3A_125 = arith.constant 96 : index
        %swap3A_126 = tpu.vector_load %arg5[%swap3A_123, %swap3A_124, %swap3A_125] {strides = array<i32>} : memref<2x248x128xf32, #tpu.memory_space<vmem>>, vector<16xf32>,
        tpu.vector_store %arg5[%swap3A_123, %swap3A_124, %swap3A_125], %gather3A_118 {strides = array<i32>} : memref<2x248x128xf32, #tpu.memory_space<vmem>>, vector<16xf32>,
        %add3A_127 = arith.constant -112 : i32
        %add3A_128 = vector.broadcast %add3A_127 : i32 to vector<16xi32>
        %add3A_129 = arith.addi %sub3A_44, %add3A_128 : vector<16xi32>
        %gather3A_130 = tpu.vector_load_idx %arg4[%add3A_129] : memref<32768xf32, #tpu.memory_space<vmem>>[vector<16xi32>], vector<16xf32>,
        %mul3A_131 = arith.constant 8 : i32
        %mul3A_132 = arith.muli %mul3A_131, %scan3A_40 : i32
        %add3A_133 = arith.constant 0 : i32
        %add3A_134 = arith.addi %mul3A_132, %add3A_133 : i32
        %swap3A_135 = arith.index_cast %and3A_17 : i32 to index
        %swap3A_136 = arith.index_cast %add3A_134 : i32 to index
        %swap3A_137 = arith.constant 112 : index
        %swap3A_138 = tpu.vector_load %arg5[%swap3A_135, %swap3A_136, %swap3A_137] {strides = array<i32>} : memref<2x248x128xf32, #tpu.memory_space<vmem>>, vector<16xf32>,
        tpu.vector_store %arg5[%swap3A_135, %swap3A_136, %swap3A_137], %gather3A_130 {strides = array<i32>} : memref<2x248x128xf32, #tpu.memory_space<vmem>>, vector<16xf32>,
        %add3A_139 = arith.constant 1 : i32
        %add3A_140 = vector.broadcast %add3A_139 : i32 to vector<16xi32>
        %add3A_141 = arith.addi %sub3A_44, %add3A_140 : vector<16xi32>
        %gather3A_142 = tpu.vector_load_idx %arg4[%add3A_141] : memref<32768xf32, #tpu.memory_space<vmem>>[vector<16xi32>], vector<16xf32>,
        %mul3A_143 = arith.constant 8 : i32
        %mul3A_144 = arith.muli %mul3A_143, %scan3A_40 : i32
        %add3A_145 = arith.constant 1 : i32
        %add3A_146 = arith.addi %mul3A_144, %add3A_145 : i32
        %swap3A_147 = arith.index_cast %and3A_17 : i32 to index
        %swap3A_148 = arith.index_cast %add3A_146 : i32 to index
        %swap3A_149 = arith.constant 0 : index
        %swap3A_150 = tpu.vector_load %arg5[%swap3A_147, %swap3A_148, %swap3A_149] {strides = array<i32>} : memref<2x248x128xf32, #tpu.memory_space<vmem>>, vector<16xf32>,
        tpu.vector_store %arg5[%swap3A_147, %swap3A_148, %swap3A_149], %gather3A_142 {strides = array<i32>} : memref<2x248x128xf32, #tpu.memory_space<vmem>>, vector<16xf32>,
        %add3A_151 = arith.constant -15 : i32
        %add3A_152 = vector.broadcast %add3A_151 : i32 to vector<16xi32>
        %add3A_153 = arith.addi %sub3A_44, %add3A_152 : vector<16xi32>
        %gather3A_154 = tpu.vector_load_idx %arg4[%add3A_153] : memref<32768xf32, #tpu.memory_space<vmem>>[vector<16xi32>], vector<16xf32>,
        %mul3A_155 = arith.constant 8 : i32
        %mul3A_156 = arith.muli %mul3A_155, %scan3A_40 : i32
        %add3A_157 = arith.constant 1 : i32
        %add3A_158 = arith.addi %mul3A_156, %add3A_157 : i32
        %swap3A_159 = arith.index_cast %and3A_17 : i32 to index
        %swap3A_160 = arith.index_cast %add3A_158 : i32 to index
        %swap3A_161 = arith.constant 16 : index
        %swap3A_162 = tpu.vector_load %arg5[%swap3A_159, %swap3A_160, %swap3A_161] {strides = array<i32>} : memref<2x248x128xf32, #tpu.memory_space<vmem>>, vector<16xf32>,
        tpu.vector_store %arg5[%swap3A_159, %swap3A_160, %swap3A_161], %gather3A_154 {strides = array<i32>} : memref<2x248x128xf32, #tpu.memory_space<vmem>>, vector<16xf32>,
        %add3A_163 = arith.constant -31 : i32
        %add3A_164 = vector.broadcast %add3A_163 : i32 to vector<16xi32>
        %add3A_165 = arith.addi %sub3A_44, %add3A_164 : vector<16xi32>
        %gather3A_166 = tpu.vector_load_idx %arg4[%add3A_165] : memref<32768xf32, #tpu.memory_space<vmem>>[vector<16xi32>], vector<16xf32>,
        %mul3A_167 = arith.constant 8 : i32
        %mul3A_168 = arith.muli %mul3A_167, %scan3A_40 : i32
        %add3A_169 = arith.constant 1 : i32
        %add3A_170 = arith.addi %mul3A_168, %add3A_169 : i32
        %swap3A_171 = arith.index_cast %and3A_17 : i32 to index
        %swap3A_172 = arith.index_cast %add3A_170 : i32 to index
        %swap3A_173 = arith.constant 32 : index
        %swap3A_174 = tpu.vector_load %arg5[%swap3A_171, %swap3A_172, %swap3A_173] {strides = array<i32>} : memref<2x248x128xf32, #tpu.memory_space<vmem>>, vector<16xf32>,
        tpu.vector_store %arg5[%swap3A_171, %swap3A_172, %swap3A_173], %gather3A_166 {strides = array<i32>} : memref<2x248x128xf32, #tpu.memory_space<vmem>>, vector<16xf32>,
        %add3A_175 = arith.constant -47 : i32
        %add3A_176 = vector.broadcast %add3A_175 : i32 to vector<16xi32>
        %add3A_177 = arith.addi %sub3A_44, %add3A_176 : vector<16xi32>
        %gather3A_178 = tpu.vector_load_idx %arg4[%add3A_177] : memref<32768xf32, #tpu.memory_space<vmem>>[vector<16xi32>], vector<16xf32>,
        %mul3A_179 = arith.constant 8 : i32
        %mul3A_180 = arith.muli %mul3A_179, %scan3A_40 : i32
        %add3A_181 = arith.constant 1 : i32
        %add3A_182 = arith.addi %mul3A_180, %add3A_181 : i32
        %swap3A_183 = arith.index_cast %and3A_17 : i32 to index
        %swap3A_184 = arith.index_cast %add3A_182 : i32 to index
        %swap3A_185 = arith.constant 48 : index
        %swap3A_186 = tpu.vector_load %arg5[%swap3A_183, %swap3A_184, %swap3A_185] {strides = array<i32>} : memref<2x248x128xf32, #tpu.memory_space<vmem>>, vector<16xf32>,
        tpu.vector_store %arg5[%swap3A_183, %swap3A_184, %swap3A_185], %gather3A_178 {strides = array<i32>} : memref<2x248x128xf32, #tpu.memory_space<vmem>>, vector<16xf32>,
        %add3A_187 = arith.constant -63 : i32
        %add3A_188 = vector.broadcast %add3A_187 : i32 to vector<16xi32>
        %add3A_189 = arith.addi %sub3A_44, %add3A_188 : vector<16xi32>
        %gather3A_190 = tpu.vector_load_idx %arg4[%add3A_189] : memref<32768xf32, #tpu.memory_space<vmem>>[vector<16xi32>], vector<16xf32>,
        %mul3A_191 = arith.constant 8 : i32
        %mul3A_192 = arith.muli %mul3A_191, %scan3A_40 : i32
        %add3A_193 = arith.constant 1 : i32
        %add3A_194 = arith.addi %mul3A_192, %add3A_193 : i32
        %swap3A_195 = arith.index_cast %and3A_17 : i32 to index
        %swap3A_196 = arith.index_cast %add3A_194 : i32 to index
        %swap3A_197 = arith.constant 64 : index
        %swap3A_198 = tpu.vector_load %arg5[%swap3A_195, %swap3A_196, %swap3A_197] {strides = array<i32>} : memref<2x248x128xf32, #tpu.memory_space<vmem>>, vector<16xf32>,
        tpu.vector_store %arg5[%swap3A_195, %swap3A_196, %swap3A_197], %gather3A_190 {strides = array<i32>} : memref<2x248x128xf32, #tpu.memory_space<vmem>>, vector<16xf32>,
        %add3A_199 = arith.constant -79 : i32
        %add3A_200 = vector.broadcast %add3A_199 : i32 to vector<16xi32>
        %add3A_201 = arith.addi %sub3A_44, %add3A_200 : vector<16xi32>
        %gather3A_202 = tpu.vector_load_idx %arg4[%add3A_201] : memref<32768xf32, #tpu.memory_space<vmem>>[vector<16xi32>], vector<16xf32>,
        %mul3A_203 = arith.constant 8 : i32
        %mul3A_204 = arith.muli %mul3A_203, %scan3A_40 : i32
        %add3A_205 = arith.constant 1 : i32
        %add3A_206 = arith.addi %mul3A_204, %add3A_205 : i32
        %swap3A_207 = arith.index_cast %and3A_17 : i32 to index
        %swap3A_208 = arith.index_cast %add3A_206 : i32 to index
        %swap3A_209 = arith.constant 80 : index
        %swap3A_210 = tpu.vector_load %arg5[%swap3A_207, %swap3A_208, %swap3A_209] {strides = array<i32>} : memref<2x248x128xf32, #tpu.memory_space<vmem>>, vector<16xf32>,
        tpu.vector_store %arg5[%swap3A_207, %swap3A_208, %swap3A_209], %gather3A_202 {strides = array<i32>} : memref<2x248x128xf32, #tpu.memory_space<vmem>>, vector<16xf32>,
        %add3A_211 = arith.constant -95 : i32
        %add3A_212 = vector.broadcast %add3A_211 : i32 to vector<16xi32>
        %add3A_213 = arith.addi %sub3A_44, %add3A_212 : vector<16xi32>
        %gather3A_214 = tpu.vector_load_idx %arg4[%add3A_213] : memref<32768xf32, #tpu.memory_space<vmem>>[vector<16xi32>], vector<16xf32>,
        %mul3A_215 = arith.constant 8 : i32
        %mul3A_216 = arith.muli %mul3A_215, %scan3A_40 : i32
        %add3A_217 = arith.constant 1 : i32
        %add3A_218 = arith.addi %mul3A_216, %add3A_217 : i32
        %swap3A_219 = arith.index_cast %and3A_17 : i32 to index
        %swap3A_220 = arith.index_cast %add3A_218 : i32 to index
        %swap3A_221 = arith.constant 96 : index
        %swap3A_222 = tpu.vector_load %arg5[%swap3A_219, %swap3A_220, %swap3A_221] {strides = array<i32>} : memref<2x248x128xf32, #tpu.memory_space<vmem>>, vector<16xf32>,
        tpu.vector_store %arg5[%swap3A_219, %swap3A_220, %swap3A_221], %gather3A_214 {strides = array<i32>} : memref<2x248x128xf32, #tpu.memory_space<vmem>>, vector<16xf32>,
        %add3A_223 = arith.constant -111 : i32
        %add3A_224 = vector.broadcast %add3A_223 : i32 to vector<16xi32>
        %add3A_225 = arith.addi %sub3A_44, %add3A_224 : vector<16xi32>
        %gather3A_226 = tpu.vector_load_idx %arg4[%add3A_225] : memref<32768xf32, #tpu.memory_space<vmem>>[vector<16xi32>], vector<16xf32>,
        %mul3A_227 = arith.constant 8 : i32
        %mul3A_228 = arith.muli %mul3A_227, %scan3A_40 : i32
        %add3A_229 = arith.constant 1 : i32
        %add3A_230 = arith.addi %mul3A_228, %add3A_229 : i32
        %swap3A_231 = arith.index_cast %and3A_17 : i32 to index
        %swap3A_232 = arith.index_cast %add3A_230 : i32 to index
        %swap3A_233 = arith.constant 112 : index
        %swap3A_234 = tpu.vector_load %arg5[%swap3A_231, %swap3A_232, %swap3A_233] {strides = array<i32>} : memref<2x248x128xf32, #tpu.memory_space<vmem>>, vector<16xf32>,
        tpu.vector_store %arg5[%swap3A_231, %swap3A_232, %swap3A_233], %gather3A_226 {strides = array<i32>} : memref<2x248x128xf32, #tpu.memory_space<vmem>>, vector<16xf32>,
        %add3A_235 = arith.constant 2 : i32
        %add3A_236 = vector.broadcast %add3A_235 : i32 to vector<16xi32>
        %add3A_237 = arith.addi %sub3A_44, %add3A_236 : vector<16xi32>
        %gather3A_238 = tpu.vector_load_idx %arg4[%add3A_237] : memref<32768xf32, #tpu.memory_space<vmem>>[vector<16xi32>], vector<16xf32>,
        %mul3A_239 = arith.constant 8 : i32
        %mul3A_240 = arith.muli %mul3A_239, %scan3A_40 : i32
        %add3A_241 = arith.constant 2 : i32
        %add3A_242 = arith.addi %mul3A_240, %add3A_241 : i32
        %swap3A_243 = arith.index_cast %and3A_17 : i32 to index
        %swap3A_244 = arith.index_cast %add3A_242 : i32 to index
        %swap3A_245 = arith.constant 0 : index
        %swap3A_246 = tpu.vector_load %arg5[%swap3A_243, %swap3A_244, %swap3A_245] {strides = array<i32>} : memref<2x248x128xf32, #tpu.memory_space<vmem>>, vector<16xf32>,
        tpu.vector_store %arg5[%swap3A_243, %swap3A_244, %swap3A_245], %gather3A_238 {strides = array<i32>} : memref<2x248x128xf32, #tpu.memory_space<vmem>>, vector<16xf32>,
        %add3A_247 = arith.constant -14 : i32
        %add3A_248 = vector.broadcast %add3A_247 : i32 to vector<16xi32>
        %add3A_249 = arith.addi %sub3A_44, %add3A_248 : vector<16xi32>
        %gather3A_250 = tpu.vector_load_idx %arg4[%add3A_249] : memref<32768xf32, #tpu.memory_space<vmem>>[vector<16xi32>], vector<16xf32>,
        %mul3A_251 = arith.constant 8 : i32
        %mul3A_252 = arith.muli %mul3A_251, %scan3A_40 : i32
        %add3A_253 = arith.constant 2 : i32
        %add3A_254 = arith.addi %mul3A_252, %add3A_253 : i32
        %swap3A_255 = arith.index_cast %and3A_17 : i32 to index
        %swap3A_256 = arith.index_cast %add3A_254 : i32 to index
        %swap3A_257 = arith.constant 16 : index
        %swap3A_258 = tpu.vector_load %arg5[%swap3A_255, %swap3A_256, %swap3A_257] {strides = array<i32>} : memref<2x248x128xf32, #tpu.memory_space<vmem>>, vector<16xf32>,
        tpu.vector_store %arg5[%swap3A_255, %swap3A_256, %swap3A_257], %gather3A_250 {strides = array<i32>} : memref<2x248x128xf32, #tpu.memory_space<vmem>>, vector<16xf32>,
        %add3A_259 = arith.constant -30 : i32
        %add3A_260 = vector.broadcast %add3A_259 : i32 to vector<16xi32>
        %add3A_261 = arith.addi %sub3A_44, %add3A_260 : vector<16xi32>
        %gather3A_262 = tpu.vector_load_idx %arg4[%add3A_261] : memref<32768xf32, #tpu.memory_space<vmem>>[vector<16xi32>], vector<16xf32>,
        %mul3A_263 = arith.constant 8 : i32
        %mul3A_264 = arith.muli %mul3A_263, %scan3A_40 : i32
        %add3A_265 = arith.constant 2 : i32
        %add3A_266 = arith.addi %mul3A_264, %add3A_265 : i32
        %swap3A_267 = arith.index_cast %and3A_17 : i32 to index
        %swap3A_268 = arith.index_cast %add3A_266 : i32 to index
        %swap3A_269 = arith.constant 32 : index
        %swap3A_270 = tpu.vector_load %arg5[%swap3A_267, %swap3A_268, %swap3A_269] {strides = array<i32>} : memref<2x248x128xf32, #tpu.memory_space<vmem>>, vector<16xf32>,
        tpu.vector_store %arg5[%swap3A_267, %swap3A_268, %swap3A_269], %gather3A_262 {strides = array<i32>} : memref<2x248x128xf32, #tpu.memory_space<vmem>>, vector<16xf32>,
        %add3A_271 = arith.constant -46 : i32
        %add3A_272 = vector.broadcast %add3A_271 : i32 to vector<16xi32>
        %add3A_273 = arith.addi %sub3A_44, %add3A_272 : vector<16xi32>
        %gather3A_274 = tpu.vector_load_idx %arg4[%add3A_273] : memref<32768xf32, #tpu.memory_space<vmem>>[vector<16xi32>], vector<16xf32>,
        %mul3A_275 = arith.constant 8 : i32
        %mul3A_276 = arith.muli %mul3A_275, %scan3A_40 : i32
        %add3A_277 = arith.constant 2 : i32
        %add3A_278 = arith.addi %mul3A_276, %add3A_277 : i32
        %swap3A_279 = arith.index_cast %and3A_17 : i32 to index
        %swap3A_280 = arith.index_cast %add3A_278 : i32 to index
        %swap3A_281 = arith.constant 48 : index
        %swap3A_282 = tpu.vector_load %arg5[%swap3A_279, %swap3A_280, %swap3A_281] {strides = array<i32>} : memref<2x248x128xf32, #tpu.memory_space<vmem>>, vector<16xf32>,
        tpu.vector_store %arg5[%swap3A_279, %swap3A_280, %swap3A_281], %gather3A_274 {strides = array<i32>} : memref<2x248x128xf32, #tpu.memory_space<vmem>>, vector<16xf32>,
        %add3A_283 = arith.constant -62 : i32
        %add3A_284 = vector.broadcast %add3A_283 : i32 to vector<16xi32>
        %add3A_285 = arith.addi %sub3A_44, %add3A_284 : vector<16xi32>
        %gather3A_286 = tpu.vector_load_idx %arg4[%add3A_285] : memref<32768xf32, #tpu.memory_space<vmem>>[vector<16xi32>], vector<16xf32>,
        %mul3A_287 = arith.constant 8 : i32
        %mul3A_288 = arith.muli %mul3A_287, %scan3A_40 : i32
        %add3A_289 = arith.constant 2 : i32
        %add3A_290 = arith.addi %mul3A_288, %add3A_289 : i32
        %swap3A_291 = arith.index_cast %and3A_17 : i32 to index
        %swap3A_292 = arith.index_cast %add3A_290 : i32 to index
        %swap3A_293 = arith.constant 64 : index
        %swap3A_294 = tpu.vector_load %arg5[%swap3A_291, %swap3A_292, %swap3A_293] {strides = array<i32>} : memref<2x248x128xf32, #tpu.memory_space<vmem>>, vector<16xf32>,
        tpu.vector_store %arg5[%swap3A_291, %swap3A_292, %swap3A_293], %gather3A_286 {strides = array<i32>} : memref<2x248x128xf32, #tpu.memory_space<vmem>>, vector<16xf32>,
        %add3A_295 = arith.constant -78 : i32
        %add3A_296 = vector.broadcast %add3A_295 : i32 to vector<16xi32>
        %add3A_297 = arith.addi %sub3A_44, %add3A_296 : vector<16xi32>
        %gather3A_298 = tpu.vector_load_idx %arg4[%add3A_297] : memref<32768xf32, #tpu.memory_space<vmem>>[vector<16xi32>], vector<16xf32>,
        %mul3A_299 = arith.constant 8 : i32
        %mul3A_300 = arith.muli %mul3A_299, %scan3A_40 : i32
        %add3A_301 = arith.constant 2 : i32
        %add3A_302 = arith.addi %mul3A_300, %add3A_301 : i32
        %swap3A_303 = arith.index_cast %and3A_17 : i32 to index
        %swap3A_304 = arith.index_cast %add3A_302 : i32 to index
        %swap3A_305 = arith.constant 80 : index
        %swap3A_306 = tpu.vector_load %arg5[%swap3A_303, %swap3A_304, %swap3A_305] {strides = array<i32>} : memref<2x248x128xf32, #tpu.memory_space<vmem>>, vector<16xf32>,
        tpu.vector_store %arg5[%swap3A_303, %swap3A_304, %swap3A_305], %gather3A_298 {strides = array<i32>} : memref<2x248x128xf32, #tpu.memory_space<vmem>>, vector<16xf32>,
        %add3A_307 = arith.constant -94 : i32
        %add3A_308 = vector.broadcast %add3A_307 : i32 to vector<16xi32>
        %add3A_309 = arith.addi %sub3A_44, %add3A_308 : vector<16xi32>
        %gather3A_310 = tpu.vector_load_idx %arg4[%add3A_309] : memref<32768xf32, #tpu.memory_space<vmem>>[vector<16xi32>], vector<16xf32>,
        %mul3A_311 = arith.constant 8 : i32
        %mul3A_312 = arith.muli %mul3A_311, %scan3A_40 : i32
        %add3A_313 = arith.constant 2 : i32
        %add3A_314 = arith.addi %mul3A_312, %add3A_313 : i32
        %swap3A_315 = arith.index_cast %and3A_17 : i32 to index
        %swap3A_316 = arith.index_cast %add3A_314 : i32 to index
        %swap3A_317 = arith.constant 96 : index
        %swap3A_318 = tpu.vector_load %arg5[%swap3A_315, %swap3A_316, %swap3A_317] {strides = array<i32>} : memref<2x248x128xf32, #tpu.memory_space<vmem>>, vector<16xf32>,
        tpu.vector_store %arg5[%swap3A_315, %swap3A_316, %swap3A_317], %gather3A_310 {strides = array<i32>} : memref<2x248x128xf32, #tpu.memory_space<vmem>>, vector<16xf32>,
        %add3A_319 = arith.constant -110 : i32
        %add3A_320 = vector.broadcast %add3A_319 : i32 to vector<16xi32>
        %add3A_321 = arith.addi %sub3A_44, %add3A_320 : vector<16xi32>
        %gather3A_322 = tpu.vector_load_idx %arg4[%add3A_321] : memref<32768xf32, #tpu.memory_space<vmem>>[vector<16xi32>], vector<16xf32>,
        %mul3A_323 = arith.constant 8 : i32
        %mul3A_324 = arith.muli %mul3A_323, %scan3A_40 : i32
        %add3A_325 = arith.constant 2 : i32
        %add3A_326 = arith.addi %mul3A_324, %add3A_325 : i32
        %swap3A_327 = arith.index_cast %and3A_17 : i32 to index
        %swap3A_328 = arith.index_cast %add3A_326 : i32 to index
        %swap3A_329 = arith.constant 112 : index
        %swap3A_330 = tpu.vector_load %arg5[%swap3A_327, %swap3A_328, %swap3A_329] {strides = array<i32>} : memref<2x248x128xf32, #tpu.memory_space<vmem>>, vector<16xf32>,
        tpu.vector_store %arg5[%swap3A_327, %swap3A_328, %swap3A_329], %gather3A_322 {strides = array<i32>} : memref<2x248x128xf32, #tpu.memory_space<vmem>>, vector<16xf32>,
        %add3A_331 = arith.constant 3 : i32
        %add3A_332 = vector.broadcast %add3A_331 : i32 to vector<16xi32>
        %add3A_333 = arith.addi %sub3A_44, %add3A_332 : vector<16xi32>
        %gather3A_334 = tpu.vector_load_idx %arg4[%add3A_333] : memref<32768xf32, #tpu.memory_space<vmem>>[vector<16xi32>], vector<16xf32>,
        %mul3A_335 = arith.constant 8 : i32
        %mul3A_336 = arith.muli %mul3A_335, %scan3A_40 : i32
        %add3A_337 = arith.constant 3 : i32
        %add3A_338 = arith.addi %mul3A_336, %add3A_337 : i32
        %swap3A_339 = arith.index_cast %and3A_17 : i32 to index
        %swap3A_340 = arith.index_cast %add3A_338 : i32 to index
        %swap3A_341 = arith.constant 0 : index
        %swap3A_342 = tpu.vector_load %arg5[%swap3A_339, %swap3A_340, %swap3A_341] {strides = array<i32>} : memref<2x248x128xf32, #tpu.memory_space<vmem>>, vector<16xf32>,
        tpu.vector_store %arg5[%swap3A_339, %swap3A_340, %swap3A_341], %gather3A_334 {strides = array<i32>} : memref<2x248x128xf32, #tpu.memory_space<vmem>>, vector<16xf32>,
        %add3A_343 = arith.constant -13 : i32
        %add3A_344 = vector.broadcast %add3A_343 : i32 to vector<16xi32>
        %add3A_345 = arith.addi %sub3A_44, %add3A_344 : vector<16xi32>
        %gather3A_346 = tpu.vector_load_idx %arg4[%add3A_345] : memref<32768xf32, #tpu.memory_space<vmem>>[vector<16xi32>], vector<16xf32>,
        %mul3A_347 = arith.constant 8 : i32
        %mul3A_348 = arith.muli %mul3A_347, %scan3A_40 : i32
        %add3A_349 = arith.constant 3 : i32
        %add3A_350 = arith.addi %mul3A_348, %add3A_349 : i32
        %swap3A_351 = arith.index_cast %and3A_17 : i32 to index
        %swap3A_352 = arith.index_cast %add3A_350 : i32 to index
        %swap3A_353 = arith.constant 16 : index
        %swap3A_354 = tpu.vector_load %arg5[%swap3A_351, %swap3A_352, %swap3A_353] {strides = array<i32>} : memref<2x248x128xf32, #tpu.memory_space<vmem>>, vector<16xf32>,
        tpu.vector_store %arg5[%swap3A_351, %swap3A_352, %swap3A_353], %gather3A_346 {strides = array<i32>} : memref<2x248x128xf32, #tpu.memory_space<vmem>>, vector<16xf32>,
        %add3A_355 = arith.constant -29 : i32
        %add3A_356 = vector.broadcast %add3A_355 : i32 to vector<16xi32>
        %add3A_357 = arith.addi %sub3A_44, %add3A_356 : vector<16xi32>
        %gather3A_358 = tpu.vector_load_idx %arg4[%add3A_357] : memref<32768xf32, #tpu.memory_space<vmem>>[vector<16xi32>], vector<16xf32>,
        %mul3A_359 = arith.constant 8 : i32
        %mul3A_360 = arith.muli %mul3A_359, %scan3A_40 : i32
        %add3A_361 = arith.constant 3 : i32
        %add3A_362 = arith.addi %mul3A_360, %add3A_361 : i32
        %swap3A_363 = arith.index_cast %and3A_17 : i32 to index
        %swap3A_364 = arith.index_cast %add3A_362 : i32 to index
        %swap3A_365 = arith.constant 32 : index
        %swap3A_366 = tpu.vector_load %arg5[%swap3A_363, %swap3A_364, %swap3A_365] {strides = array<i32>} : memref<2x248x128xf32, #tpu.memory_space<vmem>>, vector<16xf32>,
        tpu.vector_store %arg5[%swap3A_363, %swap3A_364, %swap3A_365], %gather3A_358 {strides = array<i32>} : memref<2x248x128xf32, #tpu.memory_space<vmem>>, vector<16xf32>,
        %add3A_367 = arith.constant -45 : i32
        %add3A_368 = vector.broadcast %add3A_367 : i32 to vector<16xi32>
        %add3A_369 = arith.addi %sub3A_44, %add3A_368 : vector<16xi32>
        %gather3A_370 = tpu.vector_load_idx %arg4[%add3A_369] : memref<32768xf32, #tpu.memory_space<vmem>>[vector<16xi32>], vector<16xf32>,
        %mul3A_371 = arith.constant 8 : i32
        %mul3A_372 = arith.muli %mul3A_371, %scan3A_40 : i32
        %add3A_373 = arith.constant 3 : i32
        %add3A_374 = arith.addi %mul3A_372, %add3A_373 : i32
        %swap3A_375 = arith.index_cast %and3A_17 : i32 to index
        %swap3A_376 = arith.index_cast %add3A_374 : i32 to index
        %swap3A_377 = arith.constant 48 : index
        %swap3A_378 = tpu.vector_load %arg5[%swap3A_375, %swap3A_376, %swap3A_377] {strides = array<i32>} : memref<2x248x128xf32, #tpu.memory_space<vmem>>, vector<16xf32>,
        tpu.vector_store %arg5[%swap3A_375, %swap3A_376, %swap3A_377], %gather3A_370 {strides = array<i32>} : memref<2x248x128xf32, #tpu.memory_space<vmem>>, vector<16xf32>,
        %add3A_379 = arith.constant -61 : i32
        %add3A_380 = vector.broadcast %add3A_379 : i32 to vector<16xi32>
        %add3A_381 = arith.addi %sub3A_44, %add3A_380 : vector<16xi32>
        %gather3A_382 = tpu.vector_load_idx %arg4[%add3A_381] : memref<32768xf32, #tpu.memory_space<vmem>>[vector<16xi32>], vector<16xf32>,
        %mul3A_383 = arith.constant 8 : i32
        %mul3A_384 = arith.muli %mul3A_383, %scan3A_40 : i32
        %add3A_385 = arith.constant 3 : i32
        %add3A_386 = arith.addi %mul3A_384, %add3A_385 : i32
        %swap3A_387 = arith.index_cast %and3A_17 : i32 to index
        %swap3A_388 = arith.index_cast %add3A_386 : i32 to index
        %swap3A_389 = arith.constant 64 : index
        %swap3A_390 = tpu.vector_load %arg5[%swap3A_387, %swap3A_388, %swap3A_389] {strides = array<i32>} : memref<2x248x128xf32, #tpu.memory_space<vmem>>, vector<16xf32>,
        tpu.vector_store %arg5[%swap3A_387, %swap3A_388, %swap3A_389], %gather3A_382 {strides = array<i32>} : memref<2x248x128xf32, #tpu.memory_space<vmem>>, vector<16xf32>,
        %add3A_391 = arith.constant -77 : i32
        %add3A_392 = vector.broadcast %add3A_391 : i32 to vector<16xi32>
        %add3A_393 = arith.addi %sub3A_44, %add3A_392 : vector<16xi32>
        %gather3A_394 = tpu.vector_load_idx %arg4[%add3A_393] : memref<32768xf32, #tpu.memory_space<vmem>>[vector<16xi32>], vector<16xf32>,
        %mul3A_395 = arith.constant 8 : i32
        %mul3A_396 = arith.muli %mul3A_395, %scan3A_40 : i32
        %add3A_397 = arith.constant 3 : i32
        %add3A_398 = arith.addi %mul3A_396, %add3A_397 : i32
        %swap3A_399 = arith.index_cast %and3A_17 : i32 to index
        %swap3A_400 = arith.index_cast %add3A_398 : i32 to index
        %swap3A_401 = arith.constant 80 : index
        %swap3A_402 = tpu.vector_load %arg5[%swap3A_399, %swap3A_400, %swap3A_401] {strides = array<i32>} : memref<2x248x128xf32, #tpu.memory_space<vmem>>, vector<16xf32>,
        tpu.vector_store %arg5[%swap3A_399, %swap3A_400, %swap3A_401], %gather3A_394 {strides = array<i32>} : memref<2x248x128xf32, #tpu.memory_space<vmem>>, vector<16xf32>,
        %add3A_403 = arith.constant -93 : i32
        %add3A_404 = vector.broadcast %add3A_403 : i32 to vector<16xi32>
        %add3A_405 = arith.addi %sub3A_44, %add3A_404 : vector<16xi32>
        %gather3A_406 = tpu.vector_load_idx %arg4[%add3A_405] : memref<32768xf32, #tpu.memory_space<vmem>>[vector<16xi32>], vector<16xf32>,
        %mul3A_407 = arith.constant 8 : i32
        %mul3A_408 = arith.muli %mul3A_407, %scan3A_40 : i32
        %add3A_409 = arith.constant 3 : i32
        %add3A_410 = arith.addi %mul3A_408, %add3A_409 : i32
        %swap3A_411 = arith.index_cast %and3A_17 : i32 to index
        %swap3A_412 = arith.index_cast %add3A_410 : i32 to index
        %swap3A_413 = arith.constant 96 : index
        %swap3A_414 = tpu.vector_load %arg5[%swap3A_411, %swap3A_412, %swap3A_413] {strides = array<i32>} : memref<2x248x128xf32, #tpu.memory_space<vmem>>, vector<16xf32>,
        tpu.vector_store %arg5[%swap3A_411, %swap3A_412, %swap3A_413], %gather3A_406 {strides = array<i32>} : memref<2x248x128xf32, #tpu.memory_space<vmem>>, vector<16xf32>,
        %add3A_415 = arith.constant -109 : i32
        %add3A_416 = vector.broadcast %add3A_415 : i32 to vector<16xi32>
        %add3A_417 = arith.addi %sub3A_44, %add3A_416 : vector<16xi32>
        %gather3A_418 = tpu.vector_load_idx %arg4[%add3A_417] : memref<32768xf32, #tpu.memory_space<vmem>>[vector<16xi32>], vector<16xf32>,
        %mul3A_419 = arith.constant 8 : i32
        %mul3A_420 = arith.muli %mul3A_419, %scan3A_40 : i32
        %add3A_421 = arith.constant 3 : i32
        %add3A_422 = arith.addi %mul3A_420, %add3A_421 : i32
        %swap3A_423 = arith.index_cast %and3A_17 : i32 to index
        %swap3A_424 = arith.index_cast %add3A_422 : i32 to index
        %swap3A_425 = arith.constant 112 : index
        %swap3A_426 = tpu.vector_load %arg5[%swap3A_423, %swap3A_424, %swap3A_425] {strides = array<i32>} : memref<2x248x128xf32, #tpu.memory_space<vmem>>, vector<16xf32>,
        tpu.vector_store %arg5[%swap3A_423, %swap3A_424, %swap3A_425], %gather3A_418 {strides = array<i32>} : memref<2x248x128xf32, #tpu.memory_space<vmem>>, vector<16xf32>,
        %add3A_427 = arith.constant 4 : i32
        %add3A_428 = vector.broadcast %add3A_427 : i32 to vector<16xi32>
        %add3A_429 = arith.addi %sub3A_44, %add3A_428 : vector<16xi32>
        %gather3A_430 = tpu.vector_load_idx %arg4[%add3A_429] : memref<32768xf32, #tpu.memory_space<vmem>>[vector<16xi32>], vector<16xf32>,
        %mul3A_431 = arith.constant 8 : i32
        %mul3A_432 = arith.muli %mul3A_431, %scan3A_40 : i32
        %add3A_433 = arith.constant 4 : i32
        %add3A_434 = arith.addi %mul3A_432, %add3A_433 : i32
        %swap3A_435 = arith.index_cast %and3A_17 : i32 to index
        %swap3A_436 = arith.index_cast %add3A_434 : i32 to index
        %swap3A_437 = arith.constant 0 : index
        %swap3A_438 = tpu.vector_load %arg5[%swap3A_435, %swap3A_436, %swap3A_437] {strides = array<i32>} : memref<2x248x128xf32, #tpu.memory_space<vmem>>, vector<16xf32>,
        tpu.vector_store %arg5[%swap3A_435, %swap3A_436, %swap3A_437], %gather3A_430 {strides = array<i32>} : memref<2x248x128xf32, #tpu.memory_space<vmem>>, vector<16xf32>,
        %add3A_439 = arith.constant -12 : i32
        %add3A_440 = vector.broadcast %add3A_439 : i32 to vector<16xi32>
        %add3A_441 = arith.addi %sub3A_44, %add3A_440 : vector<16xi32>
        %gather3A_442 = tpu.vector_load_idx %arg4[%add3A_441] : memref<32768xf32, #tpu.memory_space<vmem>>[vector<16xi32>], vector<16xf32>,
        %mul3A_443 = arith.constant 8 : i32
        %mul3A_444 = arith.muli %mul3A_443, %scan3A_40 : i32
        %add3A_445 = arith.constant 4 : i32
        %add3A_446 = arith.addi %mul3A_444, %add3A_445 : i32
        %swap3A_447 = arith.index_cast %and3A_17 : i32 to index
        %swap3A_448 = arith.index_cast %add3A_446 : i32 to index
        %swap3A_449 = arith.constant 16 : index
        %swap3A_450 = tpu.vector_load %arg5[%swap3A_447, %swap3A_448, %swap3A_449] {strides = array<i32>} : memref<2x248x128xf32, #tpu.memory_space<vmem>>, vector<16xf32>,
        tpu.vector_store %arg5[%swap3A_447, %swap3A_448, %swap3A_449], %gather3A_442 {strides = array<i32>} : memref<2x248x128xf32, #tpu.memory_space<vmem>>, vector<16xf32>,
        %add3A_451 = arith.constant -28 : i32
        %add3A_452 = vector.broadcast %add3A_451 : i32 to vector<16xi32>
        %add3A_453 = arith.addi %sub3A_44, %add3A_452 : vector<16xi32>
        %gather3A_454 = tpu.vector_load_idx %arg4[%add3A_453] : memref<32768xf32, #tpu.memory_space<vmem>>[vector<16xi32>], vector<16xf32>,
        %mul3A_455 = arith.constant 8 : i32
        %mul3A_456 = arith.muli %mul3A_455, %scan3A_40 : i32
        %add3A_457 = arith.constant 4 : i32
        %add3A_458 = arith.addi %mul3A_456, %add3A_457 : i32
        %swap3A_459 = arith.index_cast %and3A_17 : i32 to index
        %swap3A_460 = arith.index_cast %add3A_458 : i32 to index
        %swap3A_461 = arith.constant 32 : index
        %swap3A_462 = tpu.vector_load %arg5[%swap3A_459, %swap3A_460, %swap3A_461] {strides = array<i32>} : memref<2x248x128xf32, #tpu.memory_space<vmem>>, vector<16xf32>,
        tpu.vector_store %arg5[%swap3A_459, %swap3A_460, %swap3A_461], %gather3A_454 {strides = array<i32>} : memref<2x248x128xf32, #tpu.memory_space<vmem>>, vector<16xf32>,
        %add3A_463 = arith.constant -44 : i32
        %add3A_464 = vector.broadcast %add3A_463 : i32 to vector<16xi32>
        %add3A_465 = arith.addi %sub3A_44, %add3A_464 : vector<16xi32>
        %gather3A_466 = tpu.vector_load_idx %arg4[%add3A_465] : memref<32768xf32, #tpu.memory_space<vmem>>[vector<16xi32>], vector<16xf32>,
        %mul3A_467 = arith.constant 8 : i32
        %mul3A_468 = arith.muli %mul3A_467, %scan3A_40 : i32
        %add3A_469 = arith.constant 4 : i32
        %add3A_470 = arith.addi %mul3A_468, %add3A_469 : i32
        %swap3A_471 = arith.index_cast %and3A_17 : i32 to index
        %swap3A_472 = arith.index_cast %add3A_470 : i32 to index
        %swap3A_473 = arith.constant 48 : index
        %swap3A_474 = tpu.vector_load %arg5[%swap3A_471, %swap3A_472, %swap3A_473] {strides = array<i32>} : memref<2x248x128xf32, #tpu.memory_space<vmem>>, vector<16xf32>,
        tpu.vector_store %arg5[%swap3A_471, %swap3A_472, %swap3A_473], %gather3A_466 {strides = array<i32>} : memref<2x248x128xf32, #tpu.memory_space<vmem>>, vector<16xf32>,
        %add3A_475 = arith.constant -60 : i32
        %add3A_476 = vector.broadcast %add3A_475 : i32 to vector<16xi32>
        %add3A_477 = arith.addi %sub3A_44, %add3A_476 : vector<16xi32>
        %gather3A_478 = tpu.vector_load_idx %arg4[%add3A_477] : memref<32768xf32, #tpu.memory_space<vmem>>[vector<16xi32>], vector<16xf32>,
        %mul3A_479 = arith.constant 8 : i32
        %mul3A_480 = arith.muli %mul3A_479, %scan3A_40 : i32
        %add3A_481 = arith.constant 4 : i32
        %add3A_482 = arith.addi %mul3A_480, %add3A_481 : i32
        %swap3A_483 = arith.index_cast %and3A_17 : i32 to index
        %swap3A_484 = arith.index_cast %add3A_482 : i32 to index
        %swap3A_485 = arith.constant 64 : index
        %swap3A_486 = tpu.vector_load %arg5[%swap3A_483, %swap3A_484, %swap3A_485] {strides = array<i32>} : memref<2x248x128xf32, #tpu.memory_space<vmem>>, vector<16xf32>,
        tpu.vector_store %arg5[%swap3A_483, %swap3A_484, %swap3A_485], %gather3A_478 {strides = array<i32>} : memref<2x248x128xf32, #tpu.memory_space<vmem>>, vector<16xf32>,
        %add3A_487 = arith.constant -76 : i32
        %add3A_488 = vector.broadcast %add3A_487 : i32 to vector<16xi32>
        %add3A_489 = arith.addi %sub3A_44, %add3A_488 : vector<16xi32>
        %gather3A_490 = tpu.vector_load_idx %arg4[%add3A_489] : memref<32768xf32, #tpu.memory_space<vmem>>[vector<16xi32>], vector<16xf32>,
        %mul3A_491 = arith.constant 8 : i32
        %mul3A_492 = arith.muli %mul3A_491, %scan3A_40 : i32
        %add3A_493 = arith.constant 4 : i32
        %add3A_494 = arith.addi %mul3A_492, %add3A_493 : i32
        %swap3A_495 = arith.index_cast %and3A_17 : i32 to index
        %swap3A_496 = arith.index_cast %add3A_494 : i32 to index
        %swap3A_497 = arith.constant 80 : index
        %swap3A_498 = tpu.vector_load %arg5[%swap3A_495, %swap3A_496, %swap3A_497] {strides = array<i32>} : memref<2x248x128xf32, #tpu.memory_space<vmem>>, vector<16xf32>,
        tpu.vector_store %arg5[%swap3A_495, %swap3A_496, %swap3A_497], %gather3A_490 {strides = array<i32>} : memref<2x248x128xf32, #tpu.memory_space<vmem>>, vector<16xf32>,
        %add3A_499 = arith.constant -92 : i32
        %add3A_500 = vector.broadcast %add3A_499 : i32 to vector<16xi32>
        %add3A_501 = arith.addi %sub3A_44, %add3A_500 : vector<16xi32>
        %gather3A_502 = tpu.vector_load_idx %arg4[%add3A_501] : memref<32768xf32, #tpu.memory_space<vmem>>[vector<16xi32>], vector<16xf32>,
        %mul3A_503 = arith.constant 8 : i32
        %mul3A_504 = arith.muli %mul3A_503, %scan3A_40 : i32
        %add3A_505 = arith.constant 4 : i32
        %add3A_506 = arith.addi %mul3A_504, %add3A_505 : i32
        %swap3A_507 = arith.index_cast %and3A_17 : i32 to index
        %swap3A_508 = arith.index_cast %add3A_506 : i32 to index
        %swap3A_509 = arith.constant 96 : index
        %swap3A_510 = tpu.vector_load %arg5[%swap3A_507, %swap3A_508, %swap3A_509] {strides = array<i32>} : memref<2x248x128xf32, #tpu.memory_space<vmem>>, vector<16xf32>,
        tpu.vector_store %arg5[%swap3A_507, %swap3A_508, %swap3A_509], %gather3A_502 {strides = array<i32>} : memref<2x248x128xf32, #tpu.memory_space<vmem>>, vector<16xf32>,
        %add3A_511 = arith.constant -108 : i32
        %add3A_512 = vector.broadcast %add3A_511 : i32 to vector<16xi32>
        %add3A_513 = arith.addi %sub3A_44, %add3A_512 : vector<16xi32>
        %gather3A_514 = tpu.vector_load_idx %arg4[%add3A_513] : memref<32768xf32, #tpu.memory_space<vmem>>[vector<16xi32>], vector<16xf32>,
        %mul3A_515 = arith.constant 8 : i32
        %mul3A_516 = arith.muli %mul3A_515, %scan3A_40 : i32
        %add3A_517 = arith.constant 4 : i32
        %add3A_518 = arith.addi %mul3A_516, %add3A_517 : i32
        %swap3A_519 = arith.index_cast %and3A_17 : i32 to index
        %swap3A_520 = arith.index_cast %add3A_518 : i32 to index
        %swap3A_521 = arith.constant 112 : index
        %swap3A_522 = tpu.vector_load %arg5[%swap3A_519, %swap3A_520, %swap3A_521] {strides = array<i32>} : memref<2x248x128xf32, #tpu.memory_space<vmem>>, vector<16xf32>,
        tpu.vector_store %arg5[%swap3A_519, %swap3A_520, %swap3A_521], %gather3A_514 {strides = array<i32>} : memref<2x248x128xf32, #tpu.memory_space<vmem>>, vector<16xf32>,
        %add3A_523 = arith.constant 5 : i32
        %add3A_524 = vector.broadcast %add3A_523 : i32 to vector<16xi32>
        %add3A_525 = arith.addi %sub3A_44, %add3A_524 : vector<16xi32>
        %gather3A_526 = tpu.vector_load_idx %arg4[%add3A_525] : memref<32768xf32, #tpu.memory_space<vmem>>[vector<16xi32>], vector<16xf32>,
        %mul3A_527 = arith.constant 8 : i32
        %mul3A_528 = arith.muli %mul3A_527, %scan3A_40 : i32
        %add3A_529 = arith.constant 5 : i32
        %add3A_530 = arith.addi %mul3A_528, %add3A_529 : i32
        %swap3A_531 = arith.index_cast %and3A_17 : i32 to index
        %swap3A_532 = arith.index_cast %add3A_530 : i32 to index
        %swap3A_533 = arith.constant 0 : index
        %swap3A_534 = tpu.vector_load %arg5[%swap3A_531, %swap3A_532, %swap3A_533] {strides = array<i32>} : memref<2x248x128xf32, #tpu.memory_space<vmem>>, vector<16xf32>,
        tpu.vector_store %arg5[%swap3A_531, %swap3A_532, %swap3A_533], %gather3A_526 {strides = array<i32>} : memref<2x248x128xf32, #tpu.memory_space<vmem>>, vector<16xf32>,
        %add3A_535 = arith.constant -11 : i32
        %add3A_536 = vector.broadcast %add3A_535 : i32 to vector<16xi32>
        %add3A_537 = arith.addi %sub3A_44, %add3A_536 : vector<16xi32>
        %gather3A_538 = tpu.vector_load_idx %arg4[%add3A_537] : memref<32768xf32, #tpu.memory_space<vmem>>[vector<16xi32>], vector<16xf32>,
        %mul3A_539 = arith.constant 8 : i32
        %mul3A_540 = arith.muli %mul3A_539, %scan3A_40 : i32
        %add3A_541 = arith.constant 5 : i32
        %add3A_542 = arith.addi %mul3A_540, %add3A_541 : i32
        %swap3A_543 = arith.index_cast %and3A_17 : i32 to index
        %swap3A_544 = arith.index_cast %add3A_542 : i32 to index
        %swap3A_545 = arith.constant 16 : index
        %swap3A_546 = tpu.vector_load %arg5[%swap3A_543, %swap3A_544, %swap3A_545] {strides = array<i32>} : memref<2x248x128xf32, #tpu.memory_space<vmem>>, vector<16xf32>,
        tpu.vector_store %arg5[%swap3A_543, %swap3A_544, %swap3A_545], %gather3A_538 {strides = array<i32>} : memref<2x248x128xf32, #tpu.memory_space<vmem>>, vector<16xf32>,
        %add3A_547 = arith.constant -27 : i32
        %add3A_548 = vector.broadcast %add3A_547 : i32 to vector<16xi32>
        %add3A_549 = arith.addi %sub3A_44, %add3A_548 : vector<16xi32>
        %gather3A_550 = tpu.vector_load_idx %arg4[%add3A_549] : memref<32768xf32, #tpu.memory_space<vmem>>[vector<16xi32>], vector<16xf32>,
        %mul3A_551 = arith.constant 8 : i32
        %mul3A_552 = arith.muli %mul3A_551, %scan3A_40 : i32
        %add3A_553 = arith.constant 5 : i32
        %add3A_554 = arith.addi %mul3A_552, %add3A_553 : i32
        %swap3A_555 = arith.index_cast %and3A_17 : i32 to index
        %swap3A_556 = arith.index_cast %add3A_554 : i32 to index
        %swap3A_557 = arith.constant 32 : index
        %swap3A_558 = tpu.vector_load %arg5[%swap3A_555, %swap3A_556, %swap3A_557] {strides = array<i32>} : memref<2x248x128xf32, #tpu.memory_space<vmem>>, vector<16xf32>,
        tpu.vector_store %arg5[%swap3A_555, %swap3A_556, %swap3A_557], %gather3A_550 {strides = array<i32>} : memref<2x248x128xf32, #tpu.memory_space<vmem>>, vector<16xf32>,
        %add3A_559 = arith.constant -43 : i32
        %add3A_560 = vector.broadcast %add3A_559 : i32 to vector<16xi32>
        %add3A_561 = arith.addi %sub3A_44, %add3A_560 : vector<16xi32>
        %gather3A_562 = tpu.vector_load_idx %arg4[%add3A_561] : memref<32768xf32, #tpu.memory_space<vmem>>[vector<16xi32>], vector<16xf32>,
        %mul3A_563 = arith.constant 8 : i32
        %mul3A_564 = arith.muli %mul3A_563, %scan3A_40 : i32
        %add3A_565 = arith.constant 5 : i32
        %add3A_566 = arith.addi %mul3A_564, %add3A_565 : i32
        %swap3A_567 = arith.index_cast %and3A_17 : i32 to index
        %swap3A_568 = arith.index_cast %add3A_566 : i32 to index
        %swap3A_569 = arith.constant 48 : index
        %swap3A_570 = tpu.vector_load %arg5[%swap3A_567, %swap3A_568, %swap3A_569] {strides = array<i32>} : memref<2x248x128xf32, #tpu.memory_space<vmem>>, vector<16xf32>,
        tpu.vector_store %arg5[%swap3A_567, %swap3A_568, %swap3A_569], %gather3A_562 {strides = array<i32>} : memref<2x248x128xf32, #tpu.memory_space<vmem>>, vector<16xf32>,
        %add3A_571 = arith.constant -59 : i32
        %add3A_572 = vector.broadcast %add3A_571 : i32 to vector<16xi32>
        %add3A_573 = arith.addi %sub3A_44, %add3A_572 : vector<16xi32>
        %gather3A_574 = tpu.vector_load_idx %arg4[%add3A_573] : memref<32768xf32, #tpu.memory_space<vmem>>[vector<16xi32>], vector<16xf32>,
        %mul3A_575 = arith.constant 8 : i32
        %mul3A_576 = arith.muli %mul3A_575, %scan3A_40 : i32
        %add3A_577 = arith.constant 5 : i32
        %add3A_578 = arith.addi %mul3A_576, %add3A_577 : i32
        %swap3A_579 = arith.index_cast %and3A_17 : i32 to index
        %swap3A_580 = arith.index_cast %add3A_578 : i32 to index
        %swap3A_581 = arith.constant 64 : index
        %swap3A_582 = tpu.vector_load %arg5[%swap3A_579, %swap3A_580, %swap3A_581] {strides = array<i32>} : memref<2x248x128xf32, #tpu.memory_space<vmem>>, vector<16xf32>,
        tpu.vector_store %arg5[%swap3A_579, %swap3A_580, %swap3A_581], %gather3A_574 {strides = array<i32>} : memref<2x248x128xf32, #tpu.memory_space<vmem>>, vector<16xf32>,
        %add3A_583 = arith.constant -75 : i32
        %add3A_584 = vector.broadcast %add3A_583 : i32 to vector<16xi32>
        %add3A_585 = arith.addi %sub3A_44, %add3A_584 : vector<16xi32>
        %gather3A_586 = tpu.vector_load_idx %arg4[%add3A_585] : memref<32768xf32, #tpu.memory_space<vmem>>[vector<16xi32>], vector<16xf32>,
        %mul3A_587 = arith.constant 8 : i32
        %mul3A_588 = arith.muli %mul3A_587, %scan3A_40 : i32
        %add3A_589 = arith.constant 5 : i32
        %add3A_590 = arith.addi %mul3A_588, %add3A_589 : i32
        %swap3A_591 = arith.index_cast %and3A_17 : i32 to index
        %swap3A_592 = arith.index_cast %add3A_590 : i32 to index
        %swap3A_593 = arith.constant 80 : index
        %swap3A_594 = tpu.vector_load %arg5[%swap3A_591, %swap3A_592, %swap3A_593] {strides = array<i32>} : memref<2x248x128xf32, #tpu.memory_space<vmem>>, vector<16xf32>,
        tpu.vector_store %arg5[%swap3A_591, %swap3A_592, %swap3A_593], %gather3A_586 {strides = array<i32>} : memref<2x248x128xf32, #tpu.memory_space<vmem>>, vector<16xf32>,
        %add3A_595 = arith.constant -91 : i32
        %add3A_596 = vector.broadcast %add3A_595 : i32 to vector<16xi32>
        %add3A_597 = arith.addi %sub3A_44, %add3A_596 : vector<16xi32>
        %gather3A_598 = tpu.vector_load_idx %arg4[%add3A_597] : memref<32768xf32, #tpu.memory_space<vmem>>[vector<16xi32>], vector<16xf32>,
        %mul3A_599 = arith.constant 8 : i32
        %mul3A_600 = arith.muli %mul3A_599, %scan3A_40 : i32
        %add3A_601 = arith.constant 5 : i32
        %add3A_602 = arith.addi %mul3A_600, %add3A_601 : i32
        %swap3A_603 = arith.index_cast %and3A_17 : i32 to index
        %swap3A_604 = arith.index_cast %add3A_602 : i32 to index
        %swap3A_605 = arith.constant 96 : index
        %swap3A_606 = tpu.vector_load %arg5[%swap3A_603, %swap3A_604, %swap3A_605] {strides = array<i32>} : memref<2x248x128xf32, #tpu.memory_space<vmem>>, vector<16xf32>,
        tpu.vector_store %arg5[%swap3A_603, %swap3A_604, %swap3A_605], %gather3A_598 {strides = array<i32>} : memref<2x248x128xf32, #tpu.memory_space<vmem>>, vector<16xf32>,
        %add3A_607 = arith.constant -107 : i32
        %add3A_608 = vector.broadcast %add3A_607 : i32 to vector<16xi32>
        %add3A_609 = arith.addi %sub3A_44, %add3A_608 : vector<16xi32>
        %gather3A_610 = tpu.vector_load_idx %arg4[%add3A_609] : memref<32768xf32, #tpu.memory_space<vmem>>[vector<16xi32>], vector<16xf32>,
        %mul3A_611 = arith.constant 8 : i32
        %mul3A_612 = arith.muli %mul3A_611, %scan3A_40 : i32
        %add3A_613 = arith.constant 5 : i32
        %add3A_614 = arith.addi %mul3A_612, %add3A_613 : i32
        %swap3A_615 = arith.index_cast %and3A_17 : i32 to index
        %swap3A_616 = arith.index_cast %add3A_614 : i32 to index
        %swap3A_617 = arith.constant 112 : index
        %swap3A_618 = tpu.vector_load %arg5[%swap3A_615, %swap3A_616, %swap3A_617] {strides = array<i32>} : memref<2x248x128xf32, #tpu.memory_space<vmem>>, vector<16xf32>,
        tpu.vector_store %arg5[%swap3A_615, %swap3A_616, %swap3A_617], %gather3A_610 {strides = array<i32>} : memref<2x248x128xf32, #tpu.memory_space<vmem>>, vector<16xf32>,
        %add3A_619 = arith.constant 6 : i32
        %add3A_620 = vector.broadcast %add3A_619 : i32 to vector<16xi32>
        %add3A_621 = arith.addi %sub3A_44, %add3A_620 : vector<16xi32>
        %gather3A_622 = tpu.vector_load_idx %arg4[%add3A_621] : memref<32768xf32, #tpu.memory_space<vmem>>[vector<16xi32>], vector<16xf32>,
        %mul3A_623 = arith.constant 8 : i32
        %mul3A_624 = arith.muli %mul3A_623, %scan3A_40 : i32
        %add3A_625 = arith.constant 6 : i32
        %add3A_626 = arith.addi %mul3A_624, %add3A_625 : i32
        %swap3A_627 = arith.index_cast %and3A_17 : i32 to index
        %swap3A_628 = arith.index_cast %add3A_626 : i32 to index
        %swap3A_629 = arith.constant 0 : index
        %swap3A_630 = tpu.vector_load %arg5[%swap3A_627, %swap3A_628, %swap3A_629] {strides = array<i32>} : memref<2x248x128xf32, #tpu.memory_space<vmem>>, vector<16xf32>,
        tpu.vector_store %arg5[%swap3A_627, %swap3A_628, %swap3A_629], %gather3A_622 {strides = array<i32>} : memref<2x248x128xf32, #tpu.memory_space<vmem>>, vector<16xf32>,
        %add3A_631 = arith.constant -10 : i32
        %add3A_632 = vector.broadcast %add3A_631 : i32 to vector<16xi32>
        %add3A_633 = arith.addi %sub3A_44, %add3A_632 : vector<16xi32>
        %gather3A_634 = tpu.vector_load_idx %arg4[%add3A_633] : memref<32768xf32, #tpu.memory_space<vmem>>[vector<16xi32>], vector<16xf32>,
        %mul3A_635 = arith.constant 8 : i32
        %mul3A_636 = arith.muli %mul3A_635, %scan3A_40 : i32
        %add3A_637 = arith.constant 6 : i32
        %add3A_638 = arith.addi %mul3A_636, %add3A_637 : i32
        %swap3A_639 = arith.index_cast %and3A_17 : i32 to index
        %swap3A_640 = arith.index_cast %add3A_638 : i32 to index
        %swap3A_641 = arith.constant 16 : index
        %swap3A_642 = tpu.vector_load %arg5[%swap3A_639, %swap3A_640, %swap3A_641] {strides = array<i32>} : memref<2x248x128xf32, #tpu.memory_space<vmem>>, vector<16xf32>,
        tpu.vector_store %arg5[%swap3A_639, %swap3A_640, %swap3A_641], %gather3A_634 {strides = array<i32>} : memref<2x248x128xf32, #tpu.memory_space<vmem>>, vector<16xf32>,
        %add3A_643 = arith.constant -26 : i32
        %add3A_644 = vector.broadcast %add3A_643 : i32 to vector<16xi32>
        %add3A_645 = arith.addi %sub3A_44, %add3A_644 : vector<16xi32>
        %gather3A_646 = tpu.vector_load_idx %arg4[%add3A_645] : memref<32768xf32, #tpu.memory_space<vmem>>[vector<16xi32>], vector<16xf32>,
        %mul3A_647 = arith.constant 8 : i32
        %mul3A_648 = arith.muli %mul3A_647, %scan3A_40 : i32
        %add3A_649 = arith.constant 6 : i32
        %add3A_650 = arith.addi %mul3A_648, %add3A_649 : i32
        %swap3A_651 = arith.index_cast %and3A_17 : i32 to index
        %swap3A_652 = arith.index_cast %add3A_650 : i32 to index
        %swap3A_653 = arith.constant 32 : index
        %swap3A_654 = tpu.vector_load %arg5[%swap3A_651, %swap3A_652, %swap3A_653] {strides = array<i32>} : memref<2x248x128xf32, #tpu.memory_space<vmem>>, vector<16xf32>,
        tpu.vector_store %arg5[%swap3A_651, %swap3A_652, %swap3A_653], %gather3A_646 {strides = array<i32>} : memref<2x248x128xf32, #tpu.memory_space<vmem>>, vector<16xf32>,
        %add3A_655 = arith.constant -42 : i32
        %add3A_656 = vector.broadcast %add3A_655 : i32 to vector<16xi32>
        %add3A_657 = arith.addi %sub3A_44, %add3A_656 : vector<16xi32>
        %gather3A_658 = tpu.vector_load_idx %arg4[%add3A_657] : memref<32768xf32, #tpu.memory_space<vmem>>[vector<16xi32>], vector<16xf32>,
        %mul3A_659 = arith.constant 8 : i32
        %mul3A_660 = arith.muli %mul3A_659, %scan3A_40 : i32
        %add3A_661 = arith.constant 6 : i32
        %add3A_662 = arith.addi %mul3A_660, %add3A_661 : i32
        %swap3A_663 = arith.index_cast %and3A_17 : i32 to index
        %swap3A_664 = arith.index_cast %add3A_662 : i32 to index
        %swap3A_665 = arith.constant 48 : index
        %swap3A_666 = tpu.vector_load %arg5[%swap3A_663, %swap3A_664, %swap3A_665] {strides = array<i32>} : memref<2x248x128xf32, #tpu.memory_space<vmem>>, vector<16xf32>,
        tpu.vector_store %arg5[%swap3A_663, %swap3A_664, %swap3A_665], %gather3A_658 {strides = array<i32>} : memref<2x248x128xf32, #tpu.memory_space<vmem>>, vector<16xf32>,
        %add3A_667 = arith.constant -58 : i32
        %add3A_668 = vector.broadcast %add3A_667 : i32 to vector<16xi32>
        %add3A_669 = arith.addi %sub3A_44, %add3A_668 : vector<16xi32>
        %gather3A_670 = tpu.vector_load_idx %arg4[%add3A_669] : memref<32768xf32, #tpu.memory_space<vmem>>[vector<16xi32>], vector<16xf32>,
        %mul3A_671 = arith.constant 8 : i32
        %mul3A_672 = arith.muli %mul3A_671, %scan3A_40 : i32
        %add3A_673 = arith.constant 6 : i32
        %add3A_674 = arith.addi %mul3A_672, %add3A_673 : i32
        %swap3A_675 = arith.index_cast %and3A_17 : i32 to index
        %swap3A_676 = arith.index_cast %add3A_674 : i32 to index
        %swap3A_677 = arith.constant 64 : index
        %swap3A_678 = tpu.vector_load %arg5[%swap3A_675, %swap3A_676, %swap3A_677] {strides = array<i32>} : memref<2x248x128xf32, #tpu.memory_space<vmem>>, vector<16xf32>,
        tpu.vector_store %arg5[%swap3A_675, %swap3A_676, %swap3A_677], %gather3A_670 {strides = array<i32>} : memref<2x248x128xf32, #tpu.memory_space<vmem>>, vector<16xf32>,
        %add3A_679 = arith.constant -74 : i32
        %add3A_680 = vector.broadcast %add3A_679 : i32 to vector<16xi32>
        %add3A_681 = arith.addi %sub3A_44, %add3A_680 : vector<16xi32>
        %gather3A_682 = tpu.vector_load_idx %arg4[%add3A_681] : memref<32768xf32, #tpu.memory_space<vmem>>[vector<16xi32>], vector<16xf32>,
        %mul3A_683 = arith.constant 8 : i32
        %mul3A_684 = arith.muli %mul3A_683, %scan3A_40 : i32
        %add3A_685 = arith.constant 6 : i32
        %add3A_686 = arith.addi %mul3A_684, %add3A_685 : i32
        %swap3A_687 = arith.index_cast %and3A_17 : i32 to index
        %swap3A_688 = arith.index_cast %add3A_686 : i32 to index
        %swap3A_689 = arith.constant 80 : index
        %swap3A_690 = tpu.vector_load %arg5[%swap3A_687, %swap3A_688, %swap3A_689] {strides = array<i32>} : memref<2x248x128xf32, #tpu.memory_space<vmem>>, vector<16xf32>,
        tpu.vector_store %arg5[%swap3A_687, %swap3A_688, %swap3A_689], %gather3A_682 {strides = array<i32>} : memref<2x248x128xf32, #tpu.memory_space<vmem>>, vector<16xf32>,
        %add3A_691 = arith.constant -90 : i32
        %add3A_692 = vector.broadcast %add3A_691 : i32 to vector<16xi32>
        %add3A_693 = arith.addi %sub3A_44, %add3A_692 : vector<16xi32>
        %gather3A_694 = tpu.vector_load_idx %arg4[%add3A_693] : memref<32768xf32, #tpu.memory_space<vmem>>[vector<16xi32>], vector<16xf32>,
        %mul3A_695 = arith.constant 8 : i32
        %mul3A_696 = arith.muli %mul3A_695, %scan3A_40 : i32
        %add3A_697 = arith.constant 6 : i32
        %add3A_698 = arith.addi %mul3A_696, %add3A_697 : i32
        %swap3A_699 = arith.index_cast %and3A_17 : i32 to index
        %swap3A_700 = arith.index_cast %add3A_698 : i32 to index
        %swap3A_701 = arith.constant 96 : index
        %swap3A_702 = tpu.vector_load %arg5[%swap3A_699, %swap3A_700, %swap3A_701] {strides = array<i32>} : memref<2x248x128xf32, #tpu.memory_space<vmem>>, vector<16xf32>,
        tpu.vector_store %arg5[%swap3A_699, %swap3A_700, %swap3A_701], %gather3A_694 {strides = array<i32>} : memref<2x248x128xf32, #tpu.memory_space<vmem>>, vector<16xf32>,
        %add3A_703 = arith.constant -106 : i32
        %add3A_704 = vector.broadcast %add3A_703 : i32 to vector<16xi32>
        %add3A_705 = arith.addi %sub3A_44, %add3A_704 : vector<16xi32>
        %gather3A_706 = tpu.vector_load_idx %arg4[%add3A_705] : memref<32768xf32, #tpu.memory_space<vmem>>[vector<16xi32>], vector<16xf32>,
        %mul3A_707 = arith.constant 8 : i32
        %mul3A_708 = arith.muli %mul3A_707, %scan3A_40 : i32
        %add3A_709 = arith.constant 6 : i32
        %add3A_710 = arith.addi %mul3A_708, %add3A_709 : i32
        %swap3A_711 = arith.index_cast %and3A_17 : i32 to index
        %swap3A_712 = arith.index_cast %add3A_710 : i32 to index
        %swap3A_713 = arith.constant 112 : index
        %swap3A_714 = tpu.vector_load %arg5[%swap3A_711, %swap3A_712, %swap3A_713] {strides = array<i32>} : memref<2x248x128xf32, #tpu.memory_space<vmem>>, vector<16xf32>,
        tpu.vector_store %arg5[%swap3A_711, %swap3A_712, %swap3A_713], %gather3A_706 {strides = array<i32>} : memref<2x248x128xf32, #tpu.memory_space<vmem>>, vector<16xf32>,
        %add3A_715 = arith.constant 7 : i32
        %add3A_716 = vector.broadcast %add3A_715 : i32 to vector<16xi32>
        %add3A_717 = arith.addi %sub3A_44, %add3A_716 : vector<16xi32>
        %gather3A_718 = tpu.vector_load_idx %arg4[%add3A_717] : memref<32768xf32, #tpu.memory_space<vmem>>[vector<16xi32>], vector<16xf32>,
        %mul3A_719 = arith.constant 8 : i32
        %mul3A_720 = arith.muli %mul3A_719, %scan3A_40 : i32
        %add3A_721 = arith.constant 7 : i32
        %add3A_722 = arith.addi %mul3A_720, %add3A_721 : i32
        %swap3A_723 = arith.index_cast %and3A_17 : i32 to index
        %swap3A_724 = arith.index_cast %add3A_722 : i32 to index
        %swap3A_725 = arith.constant 0 : index
        %swap3A_726 = tpu.vector_load %arg5[%swap3A_723, %swap3A_724, %swap3A_725] {strides = array<i32>} : memref<2x248x128xf32, #tpu.memory_space<vmem>>, vector<16xf32>,
        tpu.vector_store %arg5[%swap3A_723, %swap3A_724, %swap3A_725], %gather3A_718 {strides = array<i32>} : memref<2x248x128xf32, #tpu.memory_space<vmem>>, vector<16xf32>,
        %add3A_727 = arith.constant -9 : i32
        %add3A_728 = vector.broadcast %add3A_727 : i32 to vector<16xi32>
        %add3A_729 = arith.addi %sub3A_44, %add3A_728 : vector<16xi32>
        %gather3A_730 = tpu.vector_load_idx %arg4[%add3A_729] : memref<32768xf32, #tpu.memory_space<vmem>>[vector<16xi32>], vector<16xf32>,
        %mul3A_731 = arith.constant 8 : i32
        %mul3A_732 = arith.muli %mul3A_731, %scan3A_40 : i32
        %add3A_733 = arith.constant 7 : i32
        %add3A_734 = arith.addi %mul3A_732, %add3A_733 : i32
        %swap3A_735 = arith.index_cast %and3A_17 : i32 to index
        %swap3A_736 = arith.index_cast %add3A_734 : i32 to index
        %swap3A_737 = arith.constant 16 : index
        %swap3A_738 = tpu.vector_load %arg5[%swap3A_735, %swap3A_736, %swap3A_737] {strides = array<i32>} : memref<2x248x128xf32, #tpu.memory_space<vmem>>, vector<16xf32>,
        tpu.vector_store %arg5[%swap3A_735, %swap3A_736, %swap3A_737], %gather3A_730 {strides = array<i32>} : memref<2x248x128xf32, #tpu.memory_space<vmem>>, vector<16xf32>,
        %add3A_739 = arith.constant -25 : i32
        %add3A_740 = vector.broadcast %add3A_739 : i32 to vector<16xi32>
        %add3A_741 = arith.addi %sub3A_44, %add3A_740 : vector<16xi32>
        %gather3A_742 = tpu.vector_load_idx %arg4[%add3A_741] : memref<32768xf32, #tpu.memory_space<vmem>>[vector<16xi32>], vector<16xf32>,
        %mul3A_743 = arith.constant 8 : i32
        %mul3A_744 = arith.muli %mul3A_743, %scan3A_40 : i32
        %add3A_745 = arith.constant 7 : i32
        %add3A_746 = arith.addi %mul3A_744, %add3A_745 : i32
        %swap3A_747 = arith.index_cast %and3A_17 : i32 to index
        %swap3A_748 = arith.index_cast %add3A_746 : i32 to index
        %swap3A_749 = arith.constant 32 : index
        %swap3A_750 = tpu.vector_load %arg5[%swap3A_747, %swap3A_748, %swap3A_749] {strides = array<i32>} : memref<2x248x128xf32, #tpu.memory_space<vmem>>, vector<16xf32>,
        tpu.vector_store %arg5[%swap3A_747, %swap3A_748, %swap3A_749], %gather3A_742 {strides = array<i32>} : memref<2x248x128xf32, #tpu.memory_space<vmem>>, vector<16xf32>,
        %add3A_751 = arith.constant -41 : i32
        %add3A_752 = vector.broadcast %add3A_751 : i32 to vector<16xi32>
        %add3A_753 = arith.addi %sub3A_44, %add3A_752 : vector<16xi32>
        %gather3A_754 = tpu.vector_load_idx %arg4[%add3A_753] : memref<32768xf32, #tpu.memory_space<vmem>>[vector<16xi32>], vector<16xf32>,
        %mul3A_755 = arith.constant 8 : i32
        %mul3A_756 = arith.muli %mul3A_755, %scan3A_40 : i32
        %add3A_757 = arith.constant 7 : i32
        %add3A_758 = arith.addi %mul3A_756, %add3A_757 : i32
        %swap3A_759 = arith.index_cast %and3A_17 : i32 to index
        %swap3A_760 = arith.index_cast %add3A_758 : i32 to index
        %swap3A_761 = arith.constant 48 : index
        %swap3A_762 = tpu.vector_load %arg5[%swap3A_759, %swap3A_760, %swap3A_761] {strides = array<i32>} : memref<2x248x128xf32, #tpu.memory_space<vmem>>, vector<16xf32>,
        tpu.vector_store %arg5[%swap3A_759, %swap3A_760, %swap3A_761], %gather3A_754 {strides = array<i32>} : memref<2x248x128xf32, #tpu.memory_space<vmem>>, vector<16xf32>,
        %add3A_763 = arith.constant -57 : i32
        %add3A_764 = vector.broadcast %add3A_763 : i32 to vector<16xi32>
        %add3A_765 = arith.addi %sub3A_44, %add3A_764 : vector<16xi32>
        %gather3A_766 = tpu.vector_load_idx %arg4[%add3A_765] : memref<32768xf32, #tpu.memory_space<vmem>>[vector<16xi32>], vector<16xf32>,
        %mul3A_767 = arith.constant 8 : i32
        %mul3A_768 = arith.muli %mul3A_767, %scan3A_40 : i32
        %add3A_769 = arith.constant 7 : i32
        %add3A_770 = arith.addi %mul3A_768, %add3A_769 : i32
        %swap3A_771 = arith.index_cast %and3A_17 : i32 to index
        %swap3A_772 = arith.index_cast %add3A_770 : i32 to index
        %swap3A_773 = arith.constant 64 : index
        %swap3A_774 = tpu.vector_load %arg5[%swap3A_771, %swap3A_772, %swap3A_773] {strides = array<i32>} : memref<2x248x128xf32, #tpu.memory_space<vmem>>, vector<16xf32>,
        tpu.vector_store %arg5[%swap3A_771, %swap3A_772, %swap3A_773], %gather3A_766 {strides = array<i32>} : memref<2x248x128xf32, #tpu.memory_space<vmem>>, vector<16xf32>,
        %add3A_775 = arith.constant -73 : i32
        %add3A_776 = vector.broadcast %add3A_775 : i32 to vector<16xi32>
        %add3A_777 = arith.addi %sub3A_44, %add3A_776 : vector<16xi32>
        %gather3A_778 = tpu.vector_load_idx %arg4[%add3A_777] : memref<32768xf32, #tpu.memory_space<vmem>>[vector<16xi32>], vector<16xf32>,
        %mul3A_779 = arith.constant 8 : i32
        %mul3A_780 = arith.muli %mul3A_779, %scan3A_40 : i32
        %add3A_781 = arith.constant 7 : i32
        %add3A_782 = arith.addi %mul3A_780, %add3A_781 : i32
        %swap3A_783 = arith.index_cast %and3A_17 : i32 to index
        %swap3A_784 = arith.index_cast %add3A_782 : i32 to index
        %swap3A_785 = arith.constant 80 : index
        %swap3A_786 = tpu.vector_load %arg5[%swap3A_783, %swap3A_784, %swap3A_785] {strides = array<i32>} : memref<2x248x128xf32, #tpu.memory_space<vmem>>, vector<16xf32>,
        tpu.vector_store %arg5[%swap3A_783, %swap3A_784, %swap3A_785], %gather3A_778 {strides = array<i32>} : memref<2x248x128xf32, #tpu.memory_space<vmem>>, vector<16xf32>,
        %add3A_787 = arith.constant -89 : i32
        %add3A_788 = vector.broadcast %add3A_787 : i32 to vector<16xi32>
        %add3A_789 = arith.addi %sub3A_44, %add3A_788 : vector<16xi32>
        %gather3A_790 = tpu.vector_load_idx %arg4[%add3A_789] : memref<32768xf32, #tpu.memory_space<vmem>>[vector<16xi32>], vector<16xf32>,
        %mul3A_791 = arith.constant 8 : i32
        %mul3A_792 = arith.muli %mul3A_791, %scan3A_40 : i32
        %add3A_793 = arith.constant 7 : i32
        %add3A_794 = arith.addi %mul3A_792, %add3A_793 : i32
        %swap3A_795 = arith.index_cast %and3A_17 : i32 to index
        %swap3A_796 = arith.index_cast %add3A_794 : i32 to index
        %swap3A_797 = arith.constant 96 : index
        %swap3A_798 = tpu.vector_load %arg5[%swap3A_795, %swap3A_796, %swap3A_797] {strides = array<i32>} : memref<2x248x128xf32, #tpu.memory_space<vmem>>, vector<16xf32>,
        tpu.vector_store %arg5[%swap3A_795, %swap3A_796, %swap3A_797], %gather3A_790 {strides = array<i32>} : memref<2x248x128xf32, #tpu.memory_space<vmem>>, vector<16xf32>,
        %add3A_799 = arith.constant -105 : i32
        %add3A_800 = vector.broadcast %add3A_799 : i32 to vector<16xi32>
        %add3A_801 = arith.addi %sub3A_44, %add3A_800 : vector<16xi32>
        %gather3A_802 = tpu.vector_load_idx %arg4[%add3A_801] : memref<32768xf32, #tpu.memory_space<vmem>>[vector<16xi32>], vector<16xf32>,
        %mul3A_803 = arith.constant 8 : i32
        %mul3A_804 = arith.muli %mul3A_803, %scan3A_40 : i32
        %add3A_805 = arith.constant 7 : i32
        %add3A_806 = arith.addi %mul3A_804, %add3A_805 : i32
        %swap3A_807 = arith.index_cast %and3A_17 : i32 to index
        %swap3A_808 = arith.index_cast %add3A_806 : i32 to index
        %swap3A_809 = arith.constant 112 : index
        %swap3A_810 = tpu.vector_load %arg5[%swap3A_807, %swap3A_808, %swap3A_809] {strides = array<i32>} : memref<2x248x128xf32, #tpu.memory_space<vmem>>, vector<16xf32>,
        tpu.vector_store %arg5[%swap3A_807, %swap3A_808, %swap3A_809], %gather3A_802 {strides = array<i32>} : memref<2x248x128xf32, #tpu.memory_space<vmem>>, vector<16xf32>,
      }
      %scan3A_33 = arith.constant 31 : i32
      %scan3A_34 = arith.constant 0 : i32
      %scan3A_35 = arith.constant 0 : i32
      %scan3A_36 = arith.constant 16 : i32
      %scan3A_37 = arith.addi %scan3A_35, %scan3A_36 : i32
      %scan3A_38 = arith.constant 1 : i32
      scf.for %scan3A_40 = %scan3A_35 to %scan3A_37 step %scan3A_38  : i32 {
        %mul3A_41 = arith.constant 16 : i32
        %mul3A_42 = arith.muli %mul3A_41, %scan3A_40 : i32
        %add3A_43 = arith.addi %arg1, %mul3A_42 : i32
        %sub3A_44 = arith.constant 15 : i32
        %sub3A_45 = arith.subi %sub3A_44, %scan3A_40 : i32
        %mul3A_46 = arith.constant 8 : i32
        %mul3A_47 = arith.muli %mul3A_46, %sub3A_45 : i32
        %dma_start3A = arith.constant 0 : i32
        %dma_start3A_48 = tpu.memref_slice %arg5[%and3A_17, %mul3A_47, %dma_start3A] : memref<2x248x128xf32, #tpu.memory_space<vmem>> -> memref<1x128x128xf32, #tpu.memory_space<vmem>>
        %dma_start3A_49 = tpu.memref_squeeze %dma_start3A_48 : memref<1x128x128xf32, #tpu.memory_space<vmem>> -> memref<128x128xf32, #tpu.memory_space<vmem>>
        %dma_start3A_50 = arith.constant 0 : i32
        %dma_start3A_51 = arith.constant 0 : i32
        %dma_start3A_52 = tpu.memref_slice %arg3[%add3A, %add3A_43, %dma_start3A_50, %dma_start3A_51] : memref<16x256x128x128xf32, #tpu.memory_space<hbm>> -> memref<1x1x128x128xf32, #tpu.memory_space<hbm>>
        %dma_start3A_53 = tpu.memref_squeeze %dma_start3A_52 : memref<1x1x128x128xf32, #tpu.memory_space<hbm>> -> memref<128x128xf32, #tpu.memory_space<hbm>>
        %dma_start3A_54 = arith.constant 0 : i32
        %dma_start3A_55 = arith.constant 0 : i32
        %dma_start3A_56 = tpu.memref_slice %arg3[%add3A, %add3A_43, %dma_start3A_54, %dma_start3A_55] : memref<16x256x128x128xf32, #tpu.memory_space<hbm>> -> memref<1x1x128x128xf32, #tpu.memory_space<hbm>>
        %dma_start3A_57 = tpu.memref_squeeze %dma_start3A_56 : memref<1x1x128x128xf32, #tpu.memory_space<hbm>> -> memref<128x128xf32, #tpu.memory_space<hbm>>
        %dma_start3A_58 = arith.constant 0 : i32
        %dma_start3A_59 = tpu.memref_slice %arg5[%and3A_17, %mul3A_47, %dma_start3A_58] : memref<2x248x128xf32, #tpu.memory_space<vmem>> -> memref<1x128x128xf32, #tpu.memory_space<vmem>>
        %dma_start3A_60 = tpu.memref_squeeze %dma_start3A_59 : memref<1x128x128xf32, #tpu.memory_space<vmem>> -> memref<128x128xf32, #tpu.memory_space<vmem>>
        tpu.enqueue_dma source(%dma_start3A_60 : memref<128x128xf32, #tpu.memory_space<vmem>>) target(%dma_start3A_57 : memref<128x128xf32, #tpu.memory_space<hbm>>) target_semaphore(%arg6 : memref<!tpu.dma_semaphore, #tpu.memory_space<semaphore_mem>>)
      }
      %scan3A_39 = arith.constant 16 : i32
    }
    %scan3A_7 = arith.constant 8 : i32
    %scan3A_8 = arith.constant 0 : i32
    %scan3A_9 = arith.constant 0 : i32
    %scan3A_10 = arith.constant 32 : i32
    %scan3A_11 = arith.addi %scan3A_9, %scan3A_10 : i32
    %scan3A_12 = arith.constant 1 : i32
    scf.for %scan3A_14 = %scan3A_9 to %scan3A_11 step %scan3A_12  : i32 {
      %dma_wait3A = arith.constant 0 : i32
      %dma_wait3A_15 = arith.constant 0 : i32
      %dma_wait3A_16 = arith.constant 0 : i32
      %dma_wait3A_17 = arith.constant 0 : i32
      %dma_wait3A_18 = arith.constant 0 : i32
      %dma_wait3A_19 = tpu.memref_slice %arg5[%dma_wait3A, %dma_wait3A_17, %dma_wait3A_18] : memref<2x248x128xf32, #tpu.memory_space<vmem>> -> memref<1x128x128xf32, #tpu.memory_space<vmem>>
      %dma_wait3A_20 = tpu.memref_squeeze %dma_wait3A_19 : memref<1x128x128xf32, #tpu.memory_space<vmem>> -> memref<128x128xf32, #tpu.memory_space<vmem>>
      %dma_wait3A_21 = arith.constant 0 : i32
      %dma_wait3A_22 = arith.constant 0 : i32
      %dma_wait3A_23 = tpu.memref_slice %arg3[%dma_wait3A_15, %dma_wait3A_16, %dma_wait3A_21, %dma_wait3A_22] : memref<16x256x128x128xf32, #tpu.memory_space<hbm>> -> memref<1x1x128x128xf32, #tpu.memory_space<hbm>>
      %dma_wait3A_24 = tpu.memref_squeeze %dma_wait3A_23 : memref<1x1x128x128xf32, #tpu.memory_space<hbm>> -> memref<128x128xf32, #tpu.memory_space<hbm>>
      %dma_wait3A_25 = arith.constant 0 : i32
      %dma_wait3A_26 = arith.constant 0 : i32
      %dma_wait3A_27 = tpu.memref_slice %arg3[%dma_wait3A_15, %dma_wait3A_16, %dma_wait3A_25, %dma_wait3A_26] : memref<16x256x128x128xf32, #tpu.memory_space<hbm>> -> memref<1x1x128x128xf32, #tpu.memory_space<hbm>>
      %dma_wait3A_28 = tpu.memref_squeeze %dma_wait3A_27 : memref<1x1x128x128xf32, #tpu.memory_space<hbm>> -> memref<128x128xf32, #tpu.memory_space<hbm>>
      %dma_wait3A_29 = arith.constant 0 : i32
      %dma_wait3A_30 = arith.constant 0 : i32
      %dma_wait3A_31 = tpu.memref_slice %arg5[%dma_wait3A, %dma_wait3A_29, %dma_wait3A_30] : memref<2x248x128xf32, #tpu.memory_space<vmem>> -> memref<1x128x128xf32, #tpu.memory_space<vmem>>
      %dma_wait3A_32 = tpu.memref_squeeze %dma_wait3A_31 : memref<1x128x128xf32, #tpu.memory_space<vmem>> -> memref<128x128xf32, #tpu.memory_space<vmem>>
      tpu.wait_dma2 semaphore(%arg6 : memref<!tpu.dma_semaphore, #tpu.memory_space<semaphore_mem>>) src(%dma_wait3A_32 : memref<128x128xf32, #tpu.memory_space<vmem>>) dst(%dma_wait3A_28 : memref<128x128xf32, #tpu.memory_space<hbm>>)
    }
    %scan3A_13 = arith.constant 32 : i32
    return
  }
}

</mosaic_0001>

<sc_bundles>
// kernel: kernel.3.cloned.1.call-start
scs
__scs_entry_jumppad:
0x0: {  	(pc) =	sbr.rel $0x88, $3  }
0x1: {  	(tag) =	ssettag $0x0;
	lr =	simm.s32 $0x1  }
0x2: {  	[smem:$0x3FA0] =	sst lr;
	_ =	strace $0xD0000000  }
0x3: {  	_ = 	snop  }
0x4: {  	_ = 	snop  }
0x5: {  	_ = 	snop  }
0x6: {  	_ = 	snop  }
0x7: {  	_ = 	snop  }
__scs_overlays_trampoline_lowered:
0x8: {  	[smem:$0x3FAF] =	sst s0  }
0x9: {  	[smem:$0x3FB0] =	sst s1  }
0xa: {  	[smem:$0x3FB1] =	sst s2  }
0xb: {  	[smem:$0x3FB2] =	sst s3  }
0xc: {  	[smem:$0x3FB3] =	sst s4  }
0xd: {  	[smem:$0x3FB4] =	sst s5  }
0xe: {  	[smem:$0x3FB5] =	sst s6  }
0xf: {  	[smem:$0x3FB6] =	sst s7  }
0x10: {  	[smem:$0x3FB7] =	sst s8  }
0x11: {  	[smem:$0x3FB8] =	sst s9;
	s0 =	simm.s32 @!p0 $0x0  }
0x12: {  	s1 =	sld [smem:$0x3F9E];
	s0 =	simm.s32 @p0 $0x1  }
0x13: {  	[smem:$0x3FB9] =	sst s0;
	s0 =	simm.s32 @!p1 $0x0  }
0x14: {  	s2 =	sld [smem:$0x3F9D];
	s0 =	simm.s32 @p1 $0x1  }
0x15: {  	[smem:$0x3FBA] =	sst s0;
	s0 =	simm.s32 @!p2 $0x0  }
0x16: {  	s3 =	sld [smem:$0x3FDB];
	s0 =	simm.s32 @p2 $0x1  }
0x17: {  	s4 =	simm.s32 $0x1BF5;
	[smem:$0x3FBC] =	sst s0  }
0x18: {  	s0 =	sld [smem:$0x3F9F];
	_ =	swait.ge [sflag:s4], $0x0  }
0x19: {  	s7 =	sld [smem:$0x3FA0]  }
0x1a: {  	s8 =	sadd.s32 $0xFFFFE003, lr  }
0x1b: {  	s9 =	sadd.s32 $0xFFFFFEF7, lr;
	s5 =	simm.s32 $0xFFFFFFFF;
	p2 =	slt.u32 s8, $0xFFFFF086  }
0x1c: {  	p1 =	slt.u32 s9, $0xF7A;
	s5 =	simm.s32 @!p2 $0x0  }
0x1d: {  	s5 =	simm.s32 @p1 $0x1;
	p0 =	seq.s32 s7, s2  }
0x1e: {  	s7 =	smul.u32 @!p0 $0xF7A, s2;
	p2 =	seq.s32 @!p0 s5, $0x0  }
0x1f: {  	s9 =	smul.u32 $0xF7A, s1;
	s8 =	simm.s32 @!p0 $0x1BF5;
	p2 =	por !p2, p0  }
0x20: {  	[sflag:s8] =	ssyncset.s32 @!p0 $0xFFFFF086;
	s6 =	sadd.s32 @!p0 s3, s7;
	s7 =	simm.s32 @!p0 $0x108  }
0x21: {  	s3 =	sadd.s32 s3, s9;
	s6 =	sadd.s32 @!p0 $0x88, s6;
	s7 =	simm.s32 @p2 $0x1082  }
0x22: {  	[simem:s7], [sflag:s8] =	dma.local @!p0 [hbm:s6], $0xF7A  }
0x23: {  	s9 =	sor.u32 $0xD0000000, s2;
	s6 =	simm.s32 $0x108;
	_ =	swait.ge @!p0 [sflag:s8], $0x0  }
0x24: {  	s3 =	sadd.s32 $0x88, s3;
	s6 =	simm.s32 @!p1 $0x1082;
	[sflag:s4] =	ssyncset.s32 $0xFFFFF086  }
0x25: {  	[simem:s6], [sflag:s4] =	dma.local [hbm:s3], $0xF7A  }
0x26: {  	[smem:$0x3FA0] =	sst s1;
	(tag) =	ssettag s2;
	_ =	strace s9  }
0x27: {  	s1 =	sld [smem:$0x3FB0]  }
0x28: {  	s2 =	sld [smem:$0x3FB1]  }
0x29: {  	s4 =	sld [smem:$0x3FB3]  }
0x2a: {  	p0 =	seq.s32 s5, $0x0;
	s5 =	sld [smem:$0x3FB4]  }
0x2b: {  	s6 =	sld [smem:$0x3FB5]  }
0x2c: {  	s7 =	sld [smem:$0x3FB6]  }
0x2d: {  	s3 =	simm.s32 $0x108;
	s8 =	sld [smem:$0x3FB7]  }
0x2e: {  	s3 =	simm.s32 @!p0 $0x1082;
	s9 =	sld [smem:$0x3FB8]  }
0x2f: {  	lr =	sadd.s32 s0, s3;
	s0 =	sld [smem:$0x3FAF]  }
0x30: {  	s3 =	sld [smem:$0x3FB2]  }
0x31: {  	[smem:$0x3FBB] =	sst s10  }
0x32: {  	s10 =	sld [smem:$0x3FB9];
	_ =	sdelay $0x3  }
0x33: {  	p0 =	seq.s32 s10, $0x1;
	s10 =	sld [smem:$0x3FBB];
	_ =	sdelay $0x3  }
0x34: {  	[smem:$0x3FBB] =	sst s10  }
0x35: {  	s10 =	sld [smem:$0x3FBA];
	_ =	sdelay $0x3  }
0x36: {  	p1 =	seq.s32 s10, $0x1;
	s10 =	sld [smem:$0x3FBB];
	_ =	sdelay $0x3  }
0x37: {  	[smem:$0x3FBB] =	sst s10  }
0x38: {  	s10 =	sld [smem:$0x3FBC]  }
0x39: {  	_ = 	snop;
	(pc) =	sbr.ind lr, $3  }
0x3a: {  	_ = 	snop  }
0x3b: {  	_ = 	snop  }
0x3c: {  	p2 =	seq.s32 s10, $0x1;
	s10 =	sld [smem:$0x3FBB]  }
0x3d: {  	_ =	shalt  }
0x3e: {  	_ =	shalt  }
0x3f: {  	_ =	shalt  }
0x40: {  	_ =	shalt  }
0x41: {  	_ =	shalt  }
0x42: {  	_ =	shalt  }
0x43: {  	_ =	shalt  }
0x44: {  	_ =	shalt  }
0x45: {  	_ =	shalt  }
0x46: {  	_ =	shalt  }
0x47: {  	_ =	shalt  }
0x48: {  	_ =	shalt  }
0x49: {  	_ =	shalt  }
0x4a: {  	_ =	shalt  }
0x4b: {  	_ =	shalt  }
0x4c: {  	_ =	shalt  }
0x4d: {  	_ =	shalt  }
0x4e: {  	_ =	shalt  }
0x4f: {  	_ =	shalt  }
0x50: {  	_ =	shalt  }
0x51: {  	_ =	shalt  }
0x52: {  	_ =	shalt  }
0x53: {  	_ =	shalt  }
0x54: {  	_ =	shalt  }
0x55: {  	_ =	shalt  }
0x56: {  	_ =	shalt  }
0x57: {  	_ =	shalt  }
0x58: {  	_ =	shalt  }
0x59: {  	_ =	shalt  }
0x5a: {  	_ =	shalt  }
0x5b: {  	_ =	shalt  }
0x5c: {  	_ =	shalt  }
0x5d: {  	_ =	shalt  }
0x5e: {  	_ =	shalt  }
0x5f: {  	_ =	shalt  }
0x60: {  	_ =	shalt  }
0x61: {  	_ =	shalt  }
0x62: {  	_ =	shalt  }
0x63: {  	_ =	shalt  }
0x64: {  	_ =	shalt  }
0x65: {  	_ =	shalt  }
0x66: {  	_ =	shalt  }
0x67: {  	_ =	shalt  }
0x68: {  	_ =	shalt  }
0x69: {  	_ =	shalt  }
0x6a: {  	_ =	shalt  }
0x6b: {  	_ =	shalt  }
0x6c: {  	_ =	shalt  }
0x6d: {  	_ =	shalt  }
0x6e: {  	_ =	shalt  }
0x6f: {  	_ =	shalt  }
0x70: {  	_ =	shalt  }
0x71: {  	_ =	shalt  }
0x72: {  	_ =	shalt  }
0x73: {  	_ =	shalt  }
0x74: {  	_ =	shalt  }
0x75: {  	_ =	shalt  }
0x76: {  	_ =	shalt  }
0x77: {  	_ =	shalt  }
0x78: {  	_ =	shalt  }
0x79: {  	_ =	shalt  }
0x7a: {  	_ =	shalt  }
0x7b: {  	_ =	shalt  }
0x7c: {  	_ =	shalt  }
0x7d: {  	_ =	shalt  }
0x7e: {  	_ =	shalt  }
0x7f: {  	_ =	shalt  }
0x80: {  	_ =	shalt  }
0x81: {  	_ =	shalt  }
0x82: {  	_ =	shalt  }
0x83: {  	_ =	shalt  }
0x84: {  	_ =	shalt  }
0x85: {  	_ =	shalt  }
0x86: {  	_ =	shalt  }
0x87: {  	_ =	shalt  }
.Lfunc_end0:
.L_simem_size_0:
called_computation_lowered:
.L_overlay_start_0:
0x88: {  	s2 =	sld [smem:$0x3FD9]  }
0x89: {  	s3 =	sld [smem:$0x3FFE];
	_ =	sdelay $0x1  }
0x8a: {  	s1 =	srdreg.scid  }
0x8b: {  	s0 =	sand.u32 $0x1, s1  }
0x8c: {  	s17 =	sshll.u32 s0, $0xA;
	s2 =	sadd.s32 s3, s2  }
0x8d: {  	s2 =	sadd.s32 s2, s17  }
0x8e: {  	[smem:$0x3FC7] =	sst s2  }
0x8f: {  	_ = 	snop  }
0x90: {  	s2 =	sld [smem:$0x3FD0];
	(tm) =	ssettm $0x1  }
0x91: {  	s18 =	sld [smem:$0x3FFB];
	_ =	sdelay $0x3  }
0x92: {  	_ =	strace s18  }
0x93: {  	s3 =	sld [smem:$0x3FFC];
	_ =	sdelay $0x3  }
0x94: {  	_ =	strace s3  }
0x95: {  	s3 =	sld [smem:$0x3FFD];
	_ =	sdelay $0x3  }
0x96: {  	_ =	strace s3  }
0x97: {  	_ =	strace $0x8FFFFFFF  }
0x98: {  	s19 =	sld [smem:$0x3FDB];
	_ =	sdelay $0x1  }
0x99: {  	s4 =	simm.s32 $_scs_section_size  }
0x9a: {  	s5 =	simm.s32 $_size__tile_overlayer_lowered;
	s6 =	simm.s32 $_tile_overlayer_lowered  }
0x9b: {  	s22 =	simm.s32 $0x1BFF;
	s21 =	sshll.u32 s6, $0x1;
	s3 =	sadd.s32 s4, s19  }
0x9c: {  	s7 =	simm.s32 $0x0;
	s20 =	sshll.u32 s5, $0x1;
	s5 =	sadd.s32 s21, s3  }
0x9d: {  	[timem:s7], [sflag:s22] =	dma.local [hbm:s5], s20  }
0x9e: {  	_ =	swait.ge [sflag:s22], s20  }
0x9f: {  	s4 =	ssub.s32 $0x0, s20;
	[sflag:s22] =	ssyncset.done $0x0  }
0xa0: {  	[sflag:s22] =	ssyncadd.s32 s4;
	_ =	sdelay $0x1  }
0xa1: {  	s23 =	simm.s32 $0x1B8B  }
0xa2: {  	_ =	swait.ge [sflag:s23], $0x1  }
0xa3: {  	[sflag:s23] =	ssyncset.done $0x0  }
0xa4: {  	s25 =	simm.s32 $0x1B8E;
	s24 =	sld [smem:$0x3FFE];
	[sflag:s23] =	ssyncadd.s32 $0xFFFFFFFF  }
0xa5: {  	s26 =	simm.s32 $execute0_lowered;
	[smem:$0x3FD2] =	sst s25  }
0xa6: {  	s5 =	sshll.u32 s26, $0x1;
	_ =	strace $0x80000046;
	[dreg:$0x1] =	wrdreg $0xFFFFFFFF  }
0xa7: {  	s28 =	simm.s32 $_size_execute0_lowered;
	s3 =	sadd.s32 s3, s5;
	[dreg:$0x0] =	wrdreg $0x0  }
0xa8: {  	s5 =	sshll.u32 s28, $0x1;
	[dreg:$0x2] =	wrdreg s3  }
0xa9: {  	[dreg:$0x3] =	wrdreg s5  }
0xaa: {  	[dreg:$0x4] =	wrdreg $0xC0  }
0xab: {  	_ =	task [dreg:s7], $0x5FFFF  }
0xac: {  	[dreg:$0x1] =	wrdreg $0xFFFFFFFF  }
0xad: {  	[dreg:$0x0] =	wrdreg $0x60  }
0xae: {  	[dreg:$0x2] =	wrdreg s24  }
0xaf: {  	[dreg:$0x3] =	wrdreg s2  }
0xb0: {  	[dreg:$0x4] =	wrdreg $0x9  }
0xb1: {  	_ =	task.clear_ibuf [dreg:s7], $0x5FFFF;
	_ =	strace $0x90000046  }
0xb2: {  	s29 =	simm.s32 $0x9;
	_ =	strace $0x80000048  }
0xb3: {  	_ =	swait.ge [sflag:s29], $0x1  }
0xb4: {  	[sflag:s29] =	ssyncadd.s32 $0xFFFFFFFF  }
0xb5: {  	_ =	strace $0x90000048  }
0xb6: {  	_ =	sfence  }
0xb7: {  	s30 =	sld [smem:$0x0];
	_ =	sdelay $0x2  }
0xb8: {  	s31 =	sshll.u32 s1, $0xD;
	s1 =	sshrl.u32 s1, $0x2  }
0xb9: {  	s3 =	sand.u32 $0x4000, s31;
	s1 =	sadd.s32 s1, s30  }
0xba: {  	s0 =	sor.u32 s3, s0;
	s1 =	sshll.u32 s1, $0x11  }
0xbb: {  	s0 =	sor.u32 s1, s0  }
0xbc: {  	s0 =	sadd.s32 $0x8F2B, s0  }
0xbd: {  	[sflag:s0] =	ssyncadd.remote.s32 $0x1  }
0xbe: {  	_ =	sfence.sel $0xFFFF  }
0xbf: {  	[dreg:$0x0] =	wrdreg $0xFFFFFFFF;
	(pc) =	sbr.abs _section_cstart, $3  }
0xc0: {  	[dreg:$0x1] =	wrdreg $0xFFFFFFFF  }
0xc1: {  	_ =	task.clear_ibuf [dreg:s7], $0x2FFFF;
	_ =	strace $0x9FFFFFFF  }
0xc2: {  	(tm) =	ssettm $0x7FFFFFFF  }
0xc3: {  	_ =	shalt  }
tec
execute0_lowered:
.L_overlay_start_1:
0x0: {  	(tag) =	ssettag $0x1  }
0x1: {  	s2 =	rddreg [dreg:$0x0]  }
0x2: {  	s4 =	rddreg [dreg:$0x1]  }
0x3: {  	s0 =	rddreg [dreg:$0x2];
	s1 =	simm.s32 $0x0;
	s3 =	srdreg.scid  }
0x4: {  	[smem:$0x7FF] =	sst s1;
	s5 =	sand.u32 $0x1, s3  }
0x5: {  	_ =	strace $0x80000047;
	s3 =	sshll.u32 s5, $0xC;
	s6 =	ssub.s32 $0x2, s5  }
0x6: {  	s5 =	sshll.u32 s5, $0x16;
	s3 =	sadd.s32 s3, s2;
	s7 =	sshrl.u32 s6, $0x1  }
0x7: {  	s2 =	stileid.u32;
	s9 =	sadd.s32 s5, s4;
	s6 =	ssub.s32 s6, s7  }
0x8: {  	s3 =	sadd.s32 $0x400, s3;
	s31 =	sshll.u32 s2, $0x3;
	s8 =	sshll.u32 s2, $0xB  }
0x9: {  	v0 =	vlaneseq.u32;
	s7 =	simm.s32 $0x2;
	s4 =	sadd.s32 $0xF7F, s31;
	s5 =	smax.u32 s6, $0x1  }
0xa: {  	v0 =	vmul.u32 $0xFFFFFFFF, v0;
	s6 =	sadd.s32 s8, s9;
	s8 =	simm.s32 $0x1;
	s9 =	simm.s32 $0x0  }
.LBB2_1:
0xb: {  	[tilespmem:s1], [sflag:$0x2] =	stream.linear.gather [hbm4b:s3+s1], $0x8000, $0x38;
	[tilespmem:$0x17800] =	vst v63  }
0xc: {  	_ =	swait.ge [sflag:s7], $0x8000  }
0xd: {  	[sflag:s7] =	ssyncset.done $0x0  }
0xe: {  	s10 =	smov.u32 s6;
	s11 =	simm.s32 $0x0;
	[sflag:s7] =	ssyncadd.s32 $0xFFFF8000  }
.LBB2_2:
0xf: {  	p0 =	slt.u32 s11, $0x2  }
0x10: {  	s12 =	simm.s32 @!p0 $0x1  }
0x11: {  	_ =	swait.ge @!p0 [sflag:s12], $0x4000  }
0x12: {  	[sflag:s12] =	ssyncset.done @!p0 $0x0  }
0x13: {  	[sflag:s12] =	ssyncadd.s32 @!p0 $0xFFFFC000  }
0x14: {  	_ =	swait.ge @!p0 [sflag:s12], $0x4000  }
0x15: {  	[sflag:s12] =	ssyncset.done @!p0 $0x0  }
0x16: {  	[sflag:s12] =	ssyncadd.s32 @!p0 $0xFFFFC000  }
0x17: {  	_ =	swait.ge @!p0 [sflag:s12], $0x4000  }
0x18: {  	[sflag:s12] =	ssyncset.done @!p0 $0x0  }
0x19: {  	[sflag:s12] =	ssyncadd.s32 @!p0 $0xFFFFC000  }
0x1a: {  	_ =	swait.ge @!p0 [sflag:s12], $0x4000  }
0x1b: {  	[sflag:s12] =	ssyncset.done @!p0 $0x0  }
0x1c: {  	[sflag:s12] =	ssyncadd.s32 @!p0 $0xFFFFC000  }
0x1d: {  	_ =	swait.ge @!p0 [sflag:s12], $0x4000  }
0x1e: {  	[sflag:s12] =	ssyncset.done @!p0 $0x0  }
0x1f: {  	[sflag:s12] =	ssyncadd.s32 @!p0 $0xFFFFC000  }
0x20: {  	_ =	swait.ge @!p0 [sflag:s12], $0x4000  }
0x21: {  	[sflag:s12] =	ssyncset.done @!p0 $0x0  }
0x22: {  	[sflag:s12] =	ssyncadd.s32 @!p0 $0xFFFFC000  }
0x23: {  	_ =	swait.ge @!p0 [sflag:s12], $0x4000  }
0x24: {  	[sflag:s12] =	ssyncset.done @!p0 $0x0  }
0x25: {  	[sflag:s12] =	ssyncadd.s32 @!p0 $0xFFFFC000  }
0x26: {  	_ =	swait.ge @!p0 [sflag:s12], $0x4000  }
0x27: {  	[sflag:s12] =	ssyncset.done @!p0 $0x0  }
0x28: {  	[sflag:s12] =	ssyncadd.s32 @!p0 $0xFFFFC000  }
0x29: {  	_ =	swait.ge @!p0 [sflag:s12], $0x4000  }
0x2a: {  	[sflag:s12] =	ssyncset.done @!p0 $0x0  }
0x2b: {  	[sflag:s12] =	ssyncadd.s32 @!p0 $0xFFFFC000  }
0x2c: {  	_ =	swait.ge @!p0 [sflag:s12], $0x4000  }
0x2d: {  	[sflag:s12] =	ssyncset.done @!p0 $0x0  }
0x2e: {  	[sflag:s12] =	ssyncadd.s32 @!p0 $0xFFFFC000  }
0x2f: {  	_ =	swait.ge @!p0 [sflag:s12], $0x4000  }
0x30: {  	[sflag:s12] =	ssyncset.done @!p0 $0x0  }
0x31: {  	[sflag:s12] =	ssyncadd.s32 @!p0 $0xFFFFC000  }
0x32: {  	_ =	swait.ge @!p0 [sflag:s12], $0x4000  }
0x33: {  	[sflag:s12] =	ssyncset.done @!p0 $0x0  }
0x34: {  	[sflag:s12] =	ssyncadd.s32 @!p0 $0xFFFFC000  }
0x35: {  	_ =	swait.ge @!p0 [sflag:s12], $0x4000  }
0x36: {  	[sflag:s12] =	ssyncset.done @!p0 $0x0  }
0x37: {  	s13 =	sshll.u32 s11, $0xC;
	[sflag:s12] =	ssyncadd.s32 @!p0 $0xFFFFC000  }
0x38: {  	s30 =	simm.s32 $0x0;
	s13 =	sor.u32 s13, s4;
	_ =	swait.ge @!p0 [sflag:s12], $0x4000  }
0x39: {  	v3 =	vmov s30;
	v2 =	vadd.s32 s13, v0;
	[sflag:s12] =	ssyncset.done @!p0 $0x0  }
0x3a: {  	v3 =	vsub.s32 v2, v3;
	[sflag:s12] =	ssyncadd.s32 @!p0 $0xFFFFC000  }
0x3b: {  	v1 =	vand.u32 $0x7F, v2;
	v4 =	vand.u32 $0xFFFFFF80, v3;
	_ =	swait.ge @!p0 [sflag:s12], $0x4000  }
0x3c: {  	v4 =	vor.u32 v1, v4;
	[sflag:s12] =	ssyncset.done @!p0 $0x0  }
0x3d: {  	[sflag:s12] =	ssyncadd.s32 @!p0 $0xFFFFC000  }
0x3e: {  	_ =	swait.ge @!p0 [sflag:s12], $0x4000  }
0x3f: {  	[sflag:s12] =	ssyncset.done @!p0 $0x0  }
0x40: {  	[sflag:s12] =	ssyncadd.s32 @!p0 $0xFFFFC000  }
0x41: {  	v4 =	vld.idx.msk [tilespmem:v4+s1+$0x0], $0xffff  }
0x42: {  	s14 =	sand.u32 $0x1, s11;
	v5 =	vadd.s32 $0xFFFFFFF0, v3  }
0x43: {  	p1 =	seq.s32 s14, $0x1;
	s14 =	simm.s32 $0x7C00  }
0x44: {  	s14 =	simm.s32 @!p1 $0x0  }
0x45: {  	s13 =	sor.u32 $0x8200, s14  }
0x46: {  	[tilespmem:s13+$0xFFFFFE00] =	vst v4  }
0x47: {  	v4 =	vld.idx.msk [tilespmem:v5+s1+$0x0], $0xffff  }
0x48: {  	v5 =	vadd.s32 $0xFFFFFFE0, v3;
	_ =	sdelay $0x3  }
0x49: {  	[tilespmem:s13+$0xFFFFFE10] =	vst v4  }
0x4a: {  	v4 =	vld.idx.msk [tilespmem:v5+s1+$0x0], $0xffff  }
0x4b: {  	v5 =	vadd.s32 $0xFFFFFFD0, v3;
	_ =	sdelay $0x3  }
0x4c: {  	[tilespmem:s13+$0xFFFFFE20] =	vst v4  }
0x4d: {  	v4 =	vld.idx.msk [tilespmem:v5+s1+$0x0], $0xffff  }
0x4e: {  	v5 =	vadd.s32 $0xFFFFFFC0, v3;
	_ =	sdelay $0x3  }
0x4f: {  	[tilespmem:s13+$0xFFFFFE30] =	vst v4  }
0x50: {  	v4 =	vld.idx.msk [tilespmem:v5+s1+$0x0], $0xffff  }
0x51: {  	v5 =	vadd.s32 $0xFFFFFFB0, v3;
	_ =	sdelay $0x3  }
0x52: {  	[tilespmem:s13+$0xFFFFFE40] =	vst v4  }
0x53: {  	v4 =	vld.idx.msk [tilespmem:v5+s1+$0x0], $0xffff  }
0x54: {  	v5 =	vadd.s32 $0xFFFFFFA0, v3;
	_ =	sdelay $0x3  }
0x55: {  	[tilespmem:s13+$0xFFFFFE50] =	vst v4  }
0x56: {  	v4 =	vld.idx.msk [tilespmem:v5+s1+$0x0], $0xffff  }
0x57: {  	v5 =	vadd.s32 $0xFFFFFF90, v3;
	_ =	sdelay $0x3  }
0x58: {  	[tilespmem:s13+$0xFFFFFE60] =	vst v4  }
0x59: {  	v4 =	vld.idx.msk [tilespmem:v5+s1+$0x0], $0xffff  }
0x5a: {  	v5 =	vadd.s32 $0x1, v3;
	_ =	sdelay $0x3  }
0x5b: {  	[tilespmem:s13+$0xFFFFFE70] =	vst v4  }
0x5c: {  	v4 =	vld.idx.msk [tilespmem:v5+s1+$0x0], $0xffff  }
0x5d: {  	v5 =	vadd.s32 $0xFFFFFFF1, v3;
	_ =	sdelay $0x3  }
0x5e: {  	[tilespmem:s13+$0xFFFFFE80] =	vst v4  }
0x5f: {  	v4 =	vld.idx.msk [tilespmem:v5+s1+$0x0], $0xffff  }
0x60: {  	v5 =	vadd.s32 $0xFFFFFFE1, v3;
	_ =	sdelay $0x3  }
0x61: {  	[tilespmem:s13+$0xFFFFFE90] =	vst v4  }
0x62: {  	v4 =	vld.idx.msk [tilespmem:v5+s1+$0x0], $0xffff  }
0x63: {  	v5 =	vadd.s32 $0xFFFFFFD1, v3;
	_ =	sdelay $0x3  }
0x64: {  	[tilespmem:s13+$0xFFFFFEA0] =	vst v4  }
0x65: {  	v4 =	vld.idx.msk [tilespmem:v5+s1+$0x0], $0xffff  }
0x66: {  	v5 =	vadd.s32 $0xFFFFFFC1, v3;
	_ =	sdelay $0x3  }
0x67: {  	[tilespmem:s13+$0xFFFFFEB0] =	vst v4  }
0x68: {  	v4 =	vld.idx.msk [tilespmem:v5+s1+$0x0], $0xffff  }
0x69: {  	v5 =	vadd.s32 $0xFFFFFFB1, v3;
	_ =	sdelay $0x3  }
0x6a: {  	[tilespmem:s13+$0xFFFFFEC0] =	vst v4  }
0x6b: {  	v4 =	vld.idx.msk [tilespmem:v5+s1+$0x0], $0xffff  }
0x6c: {  	v5 =	vadd.s32 $0xFFFFFFA1, v3;
	_ =	sdelay $0x3  }
0x6d: {  	[tilespmem:s13+$0xFFFFFED0] =	vst v4  }
0x6e: {  	v4 =	vld.idx.msk [tilespmem:v5+s1+$0x0], $0xffff  }
0x6f: {  	v5 =	vadd.s32 $0xFFFFFF91, v3;
	_ =	sdelay $0x3  }
0x70: {  	[tilespmem:s13+$0xFFFFFEE0] =	vst v4  }
0x71: {  	v4 =	vld.idx.msk [tilespmem:v5+s1+$0x0], $0xffff  }
0x72: {  	v5 =	vadd.s32 $0x2, v3;
	_ =	sdelay $0x3  }
0x73: {  	[tilespmem:s13+$0xFFFFFEF0] =	vst v4  }
0x74: {  	v4 =	vld.idx.msk [tilespmem:v5+s1+$0x0], $0xffff  }
0x75: {  	v5 =	vadd.s32 $0xFFFFFFF2, v3;
	_ =	sdelay $0x3  }
0x76: {  	[tilespmem:s13+$0xFFFFFF00] =	vst v4  }
0x77: {  	v4 =	vld.idx.msk [tilespmem:v5+s1+$0x0], $0xffff  }
0x78: {  	v5 =	vadd.s32 $0xFFFFFFE2, v3;
	_ =	sdelay $0x3  }
0x79: {  	[tilespmem:s13+$0xFFFFFF10] =	vst v4  }
0x7a: {  	v4 =	vld.idx.msk [tilespmem:v5+s1+$0x0], $0xffff  }
0x7b: {  	v5 =	vadd.s32 $0xFFFFFFD2, v3;
	_ =	sdelay $0x3  }
0x7c: {  	[tilespmem:s13+$0xFFFFFF20] =	vst v4  }
0x7d: {  	v4 =	vld.idx.msk [tilespmem:v5+s1+$0x0], $0xffff  }
0x7e: {  	v5 =	vadd.s32 $0xFFFFFFC2, v3;
	_ =	sdelay $0x3  }
0x7f: {  	[tilespmem:s13+$0xFFFFFF30] =	vst v4  }
0x80: {  	v4 =	vld.idx.msk [tilespmem:v5+s1+$0x0], $0xffff  }
0x81: {  	v5 =	vadd.s32 $0xFFFFFFB2, v3;
	_ =	sdelay $0x3  }
0x82: {  	[tilespmem:s13+$0xFFFFFF40] =	vst v4  }
0x83: {  	v4 =	vld.idx.msk [tilespmem:v5+s1+$0x0], $0xffff  }
0x84: {  	v5 =	vadd.s32 $0xFFFFFFA2, v3;
	_ =	sdelay $0x3  }
0x85: {  	[tilespmem:s13+$0xFFFFFF50] =	vst v4  }
0x86: {  	v4 =	vld.idx.msk [tilespmem:v5+s1+$0x0], $0xffff  }
0x87: {  	v5 =	vadd.s32 $0xFFFFFF92, v3;
	_ =	sdelay $0x3  }
0x88: {  	[tilespmem:s13+$0xFFFFFF60] =	vst v4  }
0x89: {  	v4 =	vld.idx.msk [tilespmem:v5+s1+$0x0], $0xffff  }
0x8a: {  	v5 =	vadd.s32 $0x3, v3;
	_ =	sdelay $0x3  }
0x8b: {  	[tilespmem:s13+$0xFFFFFF70] =	vst v4  }
0x8c: {  	v4 =	vld.idx.msk [tilespmem:v5+s1+$0x0], $0xffff  }
0x8d: {  	v5 =	vadd.s32 $0xFFFFFFF3, v3;
	_ =	sdelay $0x3  }
0x8e: {  	[tilespmem:s13+$0xFFFFFF80] =	vst v4  }
0x8f: {  	v4 =	vld.idx.msk [tilespmem:v5+s1+$0x0], $0xffff  }
0x90: {  	v5 =	vadd.s32 $0xFFFFFFE3, v3;
	_ =	sdelay $0x3  }
0x91: {  	[tilespmem:s13+$0xFFFFFF90] =	vst v4  }
0x92: {  	v4 =	vld.idx.msk [tilespmem:v5+s1+$0x0], $0xffff  }
0x93: {  	v5 =	vadd.s32 $0xFFFFFFD3, v3;
	_ =	sdelay $0x3  }
0x94: {  	[tilespmem:s13+$0xFFFFFFA0] =	vst v4  }
0x95: {  	v4 =	vld.idx.msk [tilespmem:v5+s1+$0x0], $0xffff  }
0x96: {  	v5 =	vadd.s32 $0xFFFFFFC3, v3;
	_ =	sdelay $0x3  }
0x97: {  	[tilespmem:s13+$0xFFFFFFB0] =	vst v4  }
0x98: {  	v4 =	vld.idx.msk [tilespmem:v5+s1+$0x0], $0xffff  }
0x99: {  	v5 =	vadd.s32 $0xFFFFFFB3, v3;
	_ =	sdelay $0x3  }
0x9a: {  	[tilespmem:s13+$0xFFFFFFC0] =	vst v4  }
0x9b: {  	v4 =	vld.idx.msk [tilespmem:v5+s1+$0x0], $0xffff  }
0x9c: {  	v5 =	vadd.s32 $0xFFFFFFA3, v3;
	_ =	sdelay $0x3  }
0x9d: {  	[tilespmem:s13+$0xFFFFFFD0] =	vst v4  }
0x9e: {  	v4 =	vld.idx.msk [tilespmem:v5+s1+$0x0], $0xffff  }
0x9f: {  	v5 =	vadd.s32 $0xFFFFFF93, v3;
	_ =	sdelay $0x3  }
0xa0: {  	[tilespmem:s13+$0xFFFFFFE0] =	vst v4  }
0xa1: {  	v4 =	vld.idx.msk [tilespmem:v5+s1+$0x0], $0xffff  }
0xa2: {  	v5 =	vadd.s32 $0x4, v3;
	_ =	sdelay $0x3  }
0xa3: {  	[tilespmem:s13+$0xFFFFFFF0] =	vst v4  }
0xa4: {  	v4 =	vld.idx.msk [tilespmem:v5+s1+$0x0], $0xffff  }
0xa5: {  	v5 =	vadd.s32 $0xFFFFFFF4, v3;
	_ =	sdelay $0x3  }
0xa6: {  	[tilespmem:s13+$0x0] =	vst v4  }
0xa7: {  	v4 =	vld.idx.msk [tilespmem:v5+s1+$0x0], $0xffff  }
0xa8: {  	v5 =	vadd.s32 $0xFFFFFFE4, v3;
	_ =	sdelay $0x3  }
0xa9: {  	[tilespmem:s13+$0x10] =	vst v4  }
0xaa: {  	v4 =	vld.idx.msk [tilespmem:v5+s1+$0x0], $0xffff  }
0xab: {  	v5 =	vadd.s32 $0xFFFFFFD4, v3;
	_ =	sdelay $0x3  }
0xac: {  	[tilespmem:s13+$0x20] =	vst v4  }
0xad: {  	v4 =	vld.idx.msk [tilespmem:v5+s1+$0x0], $0xffff  }
0xae: {  	v5 =	vadd.s32 $0xFFFFFFC4, v3;
	_ =	sdelay $0x3  }
0xaf: {  	[tilespmem:s13+$0x30] =	vst v4  }
0xb0: {  	v4 =	vld.idx.msk [tilespmem:v5+s1+$0x0], $0xffff  }
0xb1: {  	v5 =	vadd.s32 $0xFFFFFFB4, v3;
	_ =	sdelay $0x3  }
0xb2: {  	[tilespmem:s13+$0x40] =	vst v4  }
0xb3: {  	v4 =	vld.idx.msk [tilespmem:v5+s1+$0x0], $0xffff  }
0xb4: {  	v5 =	vadd.s32 $0xFFFFFFA4, v3;
	_ =	sdelay $0x3  }
0xb5: {  	[tilespmem:s13+$0x50] =	vst v4  }
0xb6: {  	v4 =	vld.idx.msk [tilespmem:v5+s1+$0x0], $0xffff  }
0xb7: {  	v5 =	vadd.s32 $0xFFFFFF94, v3;
	_ =	sdelay $0x3  }
0xb8: {  	[tilespmem:s13+$0x60] =	vst v4  }
0xb9: {  	v4 =	vld.idx.msk [tilespmem:v5+s1+$0x0], $0xffff  }
0xba: {  	v5 =	vadd.s32 $0x5, v3;
	_ =	sdelay $0x3  }
0xbb: {  	[tilespmem:s13+$0x70] =	vst v4  }
0xbc: {  	v4 =	vld.idx.msk [tilespmem:v5+s1+$0x0], $0xffff  }
0xbd: {  	v5 =	vadd.s32 $0xFFFFFFF5, v3;
	_ =	sdelay $0x3  }
0xbe: {  	[tilespmem:s13+$0x80] =	vst v4  }
0xbf: {  	v4 =	vld.idx.msk [tilespmem:v5+s1+$0x0], $0xffff  }
0xc0: {  	v5 =	vadd.s32 $0xFFFFFFE5, v3;
	_ =	sdelay $0x3  }
0xc1: {  	[tilespmem:s13+$0x90] =	vst v4  }
0xc2: {  	v4 =	vld.idx.msk [tilespmem:v5+s1+$0x0], $0xffff  }
0xc3: {  	v5 =	vadd.s32 $0xFFFFFFD5, v3;
	_ =	sdelay $0x3  }
0xc4: {  	[tilespmem:s13+$0xA0] =	vst v4  }
0xc5: {  	v4 =	vld.idx.msk [tilespmem:v5+s1+$0x0], $0xffff  }
0xc6: {  	v5 =	vadd.s32 $0xFFFFFFC5, v3;
	_ =	sdelay $0x3  }
0xc7: {  	[tilespmem:s13+$0xB0] =	vst v4  }
0xc8: {  	v4 =	vld.idx.msk [tilespmem:v5+s1+$0x0], $0xffff  }
0xc9: {  	v5 =	vadd.s32 $0xFFFFFFB5, v3;
	_ =	sdelay $0x3  }
0xca: {  	[tilespmem:s13+$0xC0] =	vst v4  }
0xcb: {  	v4 =	vld.idx.msk [tilespmem:v5+s1+$0x0], $0xffff  }
0xcc: {  	v5 =	vadd.s32 $0xFFFFFFA5, v3;
	_ =	sdelay $0x3  }
0xcd: {  	[tilespmem:s13+$0xD0] =	vst v4  }
0xce: {  	v4 =	vld.idx.msk [tilespmem:v5+s1+$0x0], $0xffff  }
0xcf: {  	v5 =	vadd.s32 $0xFFFFFF95, v3;
	_ =	sdelay $0x3  }
0xd0: {  	[tilespmem:s13+$0xE0] =	vst v4  }
0xd1: {  	v4 =	vld.idx.msk [tilespmem:v5+s1+$0x0], $0xffff  }
0xd2: {  	v5 =	vadd.s32 $0x6, v3;
	_ =	sdelay $0x3  }
0xd3: {  	[tilespmem:s13+$0xF0] =	vst v4  }
0xd4: {  	v4 =	vld.idx.msk [tilespmem:v5+s1+$0x0], $0xffff  }
0xd5: {  	v5 =	vadd.s32 $0xFFFFFFF6, v3;
	_ =	sdelay $0x3  }
0xd6: {  	[tilespmem:s13+$0x100] =	vst v4  }
0xd7: {  	v4 =	vld.idx.msk [tilespmem:v5+s1+$0x0], $0xffff  }
0xd8: {  	v5 =	vadd.s32 $0xFFFFFFE6, v3;
	_ =	sdelay $0x3  }
0xd9: {  	[tilespmem:s13+$0x110] =	vst v4  }
0xda: {  	v4 =	vld.idx.msk [tilespmem:v5+s1+$0x0], $0xffff  }
0xdb: {  	v5 =	vadd.s32 $0xFFFFFFD6, v3;
	_ =	sdelay $0x3  }
0xdc: {  	[tilespmem:s13+$0x120] =	vst v4  }
0xdd: {  	v4 =	vld.idx.msk [tilespmem:v5+s1+$0x0], $0xffff  }
0xde: {  	v5 =	vadd.s32 $0xFFFFFFC6, v3;
	_ =	sdelay $0x3  }
0xdf: {  	[tilespmem:s13+$0x130] =	vst v4  }
0xe0: {  	v4 =	vld.idx.msk [tilespmem:v5+s1+$0x0], $0xffff  }
0xe1: {  	v5 =	vadd.s32 $0xFFFFFFB6, v3;
	_ =	sdelay $0x3  }
0xe2: {  	[tilespmem:s13+$0x140] =	vst v4  }
0xe3: {  	v4 =	vld.idx.msk [tilespmem:v5+s1+$0x0], $0xffff  }
0xe4: {  	v5 =	vadd.s32 $0xFFFFFFA6, v3;
	_ =	sdelay $0x3  }
0xe5: {  	[tilespmem:s13+$0x150] =	vst v4  }
0xe6: {  	v4 =	vld.idx.msk [tilespmem:v5+s1+$0x0], $0xffff  }
0xe7: {  	v5 =	vadd.s32 $0xFFFFFF96, v3;
	_ =	sdelay $0x3  }
0xe8: {  	[tilespmem:s13+$0x160] =	vst v4  }
0xe9: {  	v4 =	vld.idx.msk [tilespmem:v5+s1+$0x0], $0xffff  }
0xea: {  	v5 =	vadd.s32 $0x7, v3;
	_ =	sdelay $0x3  }
0xeb: {  	[tilespmem:s13+$0x170] =	vst v4  }
0xec: {  	v4 =	vld.idx.msk [tilespmem:v5+s1+$0x0], $0xffff  }
0xed: {  	v5 =	vadd.s32 $0xFFFFFFF7, v3;
	_ =	sdelay $0x3  }
0xee: {  	[tilespmem:s13+$0x180] =	vst v4  }
0xef: {  	v4 =	vld.idx.msk [tilespmem:v5+s1+$0x0], $0xffff  }
0xf0: {  	v5 =	vadd.s32 $0xFFFFFFE7, v3;
	_ =	sdelay $0x3  }
0xf1: {  	[tilespmem:s13+$0x190] =	vst v4  }
0xf2: {  	v4 =	vld.idx.msk [tilespmem:v5+s1+$0x0], $0xffff  }
0xf3: {  	v5 =	vadd.s32 $0xFFFFFFD7, v3;
	_ =	sdelay $0x3  }
0xf4: {  	[tilespmem:s13+$0x1A0] =	vst v4  }
0xf5: {  	v4 =	vld.idx.msk [tilespmem:v5+s1+$0x0], $0xffff  }
0xf6: {  	v5 =	vadd.s32 $0xFFFFFFC7, v3;
	_ =	sdelay $0x3  }
0xf7: {  	[tilespmem:s13+$0x1B0] =	vst v4  }
0xf8: {  	v4 =	vld.idx.msk [tilespmem:v5+s1+$0x0], $0xffff  }
0xf9: {  	v5 =	vadd.s32 $0xFFFFFFB7, v3;
	_ =	sdelay $0x3  }
0xfa: {  	[tilespmem:s13+$0x1C0] =	vst v4  }
0xfb: {  	v4 =	vld.idx.msk [tilespmem:v5+s1+$0x0], $0xffff  }
0xfc: {  	v5 =	vadd.s32 $0xFFFFFFA7, v3;
	_ =	sdelay $0x3  }
0xfd: {  	[tilespmem:s13+$0x1D0] =	vst v4  }
0xfe: {  	v5 =	vld.idx.msk [tilespmem:v5+s1+$0x0], $0xffff  }
0xff: {  	v4 =	vadd.s32 $0xFFFFFF97, v3;
	_ =	sdelay $0x2  }
0x100: {  	s31 =	simm.s32 $0x80  }
0x101: {  	s12 =	sshll.u32 s14, $0x2;
	s14 =	simm.s32 $0x100;
	v3 =	vmov s31;
	[tilespmem:s13+$0x1E0] =	vst v5  }
.LBB2_3:
0x102: {  	p0 =	seq.s32 s14, $0xF00;
	v3 =	vsub.s32 v2, v3;
	v4 =	vld.idx.msk [tilespmem:v4+s1+$0x0], $0xffff  }
0x103: {  	v5 =	vand.u32 $0xFFFFFF80, v3  }
0x104: {  	v5 =	vor.u32 v1, v5;
	_ =	sdelay $0x3  }
0x105: {  	[tilespmem:s13+$0x1F0] =	vst v4  }
0x106: {  	v4 =	vld.idx.msk [tilespmem:v5+s1+$0x0], $0xffff;
	_ =	sdelay $0x1  }
0x107: {  	v5 =	vadd.s32 $0xFFFFFFF0, v3;
	_ =	sdelay $0x2  }
0x108: {  	s13 =	sadd.s32 $0x400, s13  }
0x109: {  	[tilespmem:s13+$0xFFFFFE00] =	vst v4  }
0x10a: {  	v4 =	vld.idx.msk [tilespmem:v5+s1+$0x0], $0xffff;
	_ =	sdelay $0x1  }
0x10b: {  	v5 =	vadd.s32 $0xFFFFFFE0, v3;
	_ =	sdelay $0x3  }
0x10c: {  	[tilespmem:s13+$0xFFFFFE10] =	vst v4  }
0x10d: {  	v4 =	vld.idx.msk [tilespmem:v5+s1+$0x0], $0xffff;
	_ =	sdelay $0x1  }
0x10e: {  	v5 =	vadd.s32 $0xFFFFFFD0, v3;
	_ =	sdelay $0x3  }
0x10f: {  	[tilespmem:s13+$0xFFFFFE20] =	vst v4  }
0x110: {  	v4 =	vld.idx.msk [tilespmem:v5+s1+$0x0], $0xffff;
	_ =	sdelay $0x1  }
0x111: {  	v5 =	vadd.s32 $0xFFFFFFC0, v3;
	_ =	sdelay $0x3  }
0x112: {  	[tilespmem:s13+$0xFFFFFE30] =	vst v4  }
0x113: {  	v4 =	vld.idx.msk [tilespmem:v5+s1+$0x0], $0xffff;
	_ =	sdelay $0x1  }
0x114: {  	v5 =	vadd.s32 $0xFFFFFFB0, v3;
	_ =	sdelay $0x3  }
0x115: {  	[tilespmem:s13+$0xFFFFFE40] =	vst v4  }
0x116: {  	v4 =	vld.idx.msk [tilespmem:v5+s1+$0x0], $0xffff;
	_ =	sdelay $0x1  }
0x117: {  	v5 =	vadd.s32 $0xFFFFFFA0, v3;
	_ =	sdelay $0x3  }
0x118: {  	[tilespmem:s13+$0xFFFFFE50] =	vst v4  }
0x119: {  	v4 =	vld.idx.msk [tilespmem:v5+s1+$0x0], $0xffff;
	_ =	sdelay $0x1  }
0x11a: {  	v5 =	vadd.s32 $0xFFFFFF90, v3;
	_ =	sdelay $0x3  }
0x11b: {  	[tilespmem:s13+$0xFFFFFE60] =	vst v4  }
0x11c: {  	v4 =	vld.idx.msk [tilespmem:v5+s1+$0x0], $0xffff;
	_ =	sdelay $0x1  }
0x11d: {  	v5 =	vadd.s32 $0x1, v3;
	_ =	sdelay $0x3  }
0x11e: {  	[tilespmem:s13+$0xFFFFFE70] =	vst v4  }
0x11f: {  	v4 =	vld.idx.msk [tilespmem:v5+s1+$0x0], $0xffff;
	_ =	sdelay $0x1  }
0x120: {  	v5 =	vadd.s32 $0xFFFFFFF1, v3;
	_ =	sdelay $0x3  }
0x121: {  	[tilespmem:s13+$0xFFFFFE80] =	vst v4  }
0x122: {  	v4 =	vld.idx.msk [tilespmem:v5+s1+$0x0], $0xffff;
	_ =	sdelay $0x1  }
0x123: {  	v5 =	vadd.s32 $0xFFFFFFE1, v3;
	_ =	sdelay $0x3  }
0x124: {  	[tilespmem:s13+$0xFFFFFE90] =	vst v4  }
0x125: {  	v4 =	vld.idx.msk [tilespmem:v5+s1+$0x0], $0xffff;
	_ =	sdelay $0x1  }
0x126: {  	v5 =	vadd.s32 $0xFFFFFFD1, v3;
	_ =	sdelay $0x3  }
0x127: {  	[tilespmem:s13+$0xFFFFFEA0] =	vst v4  }
0x128: {  	v4 =	vld.idx.msk [tilespmem:v5+s1+$0x0], $0xffff;
	_ =	sdelay $0x1  }
0x129: {  	v5 =	vadd.s32 $0xFFFFFFC1, v3;
	_ =	sdelay $0x3  }
0x12a: {  	[tilespmem:s13+$0xFFFFFEB0] =	vst v4  }
0x12b: {  	v4 =	vld.idx.msk [tilespmem:v5+s1+$0x0], $0xffff;
	_ =	sdelay $0x1  }
0x12c: {  	v5 =	vadd.s32 $0xFFFFFFB1, v3;
	_ =	sdelay $0x3  }
0x12d: {  	[tilespmem:s13+$0xFFFFFEC0] =	vst v4  }
0x12e: {  	v4 =	vld.idx.msk [tilespmem:v5+s1+$0x0], $0xffff;
	_ =	sdelay $0x1  }
0x12f: {  	v5 =	vadd.s32 $0xFFFFFFA1, v3;
	_ =	sdelay $0x3  }
0x130: {  	[tilespmem:s13+$0xFFFFFED0] =	vst v4  }
0x131: {  	v4 =	vld.idx.msk [tilespmem:v5+s1+$0x0], $0xffff;
	_ =	sdelay $0x1  }
0x132: {  	v5 =	vadd.s32 $0xFFFFFF91, v3;
	_ =	sdelay $0x3  }
0x133: {  	[tilespmem:s13+$0xFFFFFEE0] =	vst v4  }
0x134: {  	v4 =	vld.idx.msk [tilespmem:v5+s1+$0x0], $0xffff;
	_ =	sdelay $0x1  }
0x135: {  	v5 =	vadd.s32 $0x2, v3;
	_ =	sdelay $0x3  }
0x136: {  	[tilespmem:s13+$0xFFFFFEF0] =	vst v4  }
0x137: {  	v4 =	vld.idx.msk [tilespmem:v5+s1+$0x0], $0xffff;
	_ =	sdelay $0x1  }
0x138: {  	v5 =	vadd.s32 $0xFFFFFFF2, v3;
	_ =	sdelay $0x3  }
0x139: {  	[tilespmem:s13+$0xFFFFFF00] =	vst v4  }
0x13a: {  	v4 =	vld.idx.msk [tilespmem:v5+s1+$0x0], $0xffff;
	_ =	sdelay $0x1  }
0x13b: {  	v5 =	vadd.s32 $0xFFFFFFE2, v3;
	_ =	sdelay $0x3  }
0x13c: {  	[tilespmem:s13+$0xFFFFFF10] =	vst v4  }
0x13d: {  	v4 =	vld.idx.msk [tilespmem:v5+s1+$0x0], $0xffff;
	_ =	sdelay $0x1  }
0x13e: {  	v5 =	vadd.s32 $0xFFFFFFD2, v3;
	_ =	sdelay $0x3  }
0x13f: {  	[tilespmem:s13+$0xFFFFFF20] =	vst v4  }
0x140: {  	v4 =	vld.idx.msk [tilespmem:v5+s1+$0x0], $0xffff;
	_ =	sdelay $0x1  }
0x141: {  	v5 =	vadd.s32 $0xFFFFFFC2, v3;
	_ =	sdelay $0x3  }
0x142: {  	[tilespmem:s13+$0xFFFFFF30] =	vst v4  }
0x143: {  	v4 =	vld.idx.msk [tilespmem:v5+s1+$0x0], $0xffff;
	_ =	sdelay $0x1  }
0x144: {  	v5 =	vadd.s32 $0xFFFFFFB2, v3;
	_ =	sdelay $0x3  }
0x145: {  	[tilespmem:s13+$0xFFFFFF40] =	vst v4  }
0x146: {  	v4 =	vld.idx.msk [tilespmem:v5+s1+$0x0], $0xffff;
	_ =	sdelay $0x1  }
0x147: {  	v5 =	vadd.s32 $0xFFFFFFA2, v3;
	_ =	sdelay $0x3  }
0x148: {  	[tilespmem:s13+$0xFFFFFF50] =	vst v4  }
0x149: {  	v4 =	vld.idx.msk [tilespmem:v5+s1+$0x0], $0xffff;
	_ =	sdelay $0x1  }
0x14a: {  	v5 =	vadd.s32 $0xFFFFFF92, v3;
	_ =	sdelay $0x3  }
0x14b: {  	[tilespmem:s13+$0xFFFFFF60] =	vst v4  }
0x14c: {  	v4 =	vld.idx.msk [tilespmem:v5+s1+$0x0], $0xffff;
	_ =	sdelay $0x1  }
0x14d: {  	v5 =	vadd.s32 $0x3, v3;
	_ =	sdelay $0x3  }
0x14e: {  	[tilespmem:s13+$0xFFFFFF70] =	vst v4  }
0x14f: {  	v4 =	vld.idx.msk [tilespmem:v5+s1+$0x0], $0xffff;
	_ =	sdelay $0x1  }
0x150: {  	v5 =	vadd.s32 $0xFFFFFFF3, v3;
	_ =	sdelay $0x3  }
0x151: {  	[tilespmem:s13+$0xFFFFFF80] =	vst v4  }
0x152: {  	v4 =	vld.idx.msk [tilespmem:v5+s1+$0x0], $0xffff;
	_ =	sdelay $0x1  }
0x153: {  	v5 =	vadd.s32 $0xFFFFFFE3, v3;
	_ =	sdelay $0x3  }
0x154: {  	[tilespmem:s13+$0xFFFFFF90] =	vst v4  }
0x155: {  	v4 =	vld.idx.msk [tilespmem:v5+s1+$0x0], $0xffff;
	_ =	sdelay $0x1  }
0x156: {  	v5 =	vadd.s32 $0xFFFFFFD3, v3;
	_ =	sdelay $0x3  }
0x157: {  	[tilespmem:s13+$0xFFFFFFA0] =	vst v4  }
0x158: {  	v4 =	vld.idx.msk [tilespmem:v5+s1+$0x0], $0xffff;
	_ =	sdelay $0x1  }
0x159: {  	v5 =	vadd.s32 $0xFFFFFFC3, v3;
	_ =	sdelay $0x3  }
0x15a: {  	[tilespmem:s13+$0xFFFFFFB0] =	vst v4  }
0x15b: {  	v4 =	vld.idx.msk [tilespmem:v5+s1+$0x0], $0xffff;
	_ =	sdelay $0x1  }
0x15c: {  	v5 =	vadd.s32 $0xFFFFFFB3, v3;
	_ =	sdelay $0x3  }
0x15d: {  	[tilespmem:s13+$0xFFFFFFC0] =	vst v4  }
0x15e: {  	v4 =	vld.idx.msk [tilespmem:v5+s1+$0x0], $0xffff;
	_ =	sdelay $0x1  }
0x15f: {  	v5 =	vadd.s32 $0xFFFFFFA3, v3;
	_ =	sdelay $0x3  }
0x160: {  	[tilespmem:s13+$0xFFFFFFD0] =	vst v4  }
0x161: {  	v4 =	vld.idx.msk [tilespmem:v5+s1+$0x0], $0xffff;
	_ =	sdelay $0x1  }
0x162: {  	v5 =	vadd.s32 $0xFFFFFF93, v3;
	_ =	sdelay $0x3  }
0x163: {  	[tilespmem:s13+$0xFFFFFFE0] =	vst v4  }
0x164: {  	v4 =	vld.idx.msk [tilespmem:v5+s1+$0x0], $0xffff;
	_ =	sdelay $0x1  }
0x165: {  	v5 =	vadd.s32 $0x4, v3;
	_ =	sdelay $0x3  }
0x166: {  	[tilespmem:s13+$0xFFFFFFF0] =	vst v4  }
0x167: {  	v4 =	vld.idx.msk [tilespmem:v5+s1+$0x0], $0xffff;
	_ =	sdelay $0x1  }
0x168: {  	v5 =	vadd.s32 $0xFFFFFFF4, v3;
	_ =	sdelay $0x3  }
0x169: {  	[tilespmem:s13+$0x0] =	vst v4  }
0x16a: {  	v4 =	vld.idx.msk [tilespmem:v5+s1+$0x0], $0xffff;
	_ =	sdelay $0x1  }
0x16b: {  	v5 =	vadd.s32 $0xFFFFFFE4, v3;
	_ =	sdelay $0x3  }
0x16c: {  	[tilespmem:s13+$0x10] =	vst v4  }
0x16d: {  	v4 =	vld.idx.msk [tilespmem:v5+s1+$0x0], $0xffff;
	_ =	sdelay $0x1  }
0x16e: {  	v5 =	vadd.s32 $0xFFFFFFD4, v3;
	_ =	sdelay $0x3  }
0x16f: {  	[tilespmem:s13+$0x20] =	vst v4  }
0x170: {  	v4 =	vld.idx.msk [tilespmem:v5+s1+$0x0], $0xffff;
	_ =	sdelay $0x1  }
0x171: {  	v5 =	vadd.s32 $0xFFFFFFC4, v3;
	_ =	sdelay $0x3  }
0x172: {  	[tilespmem:s13+$0x30] =	vst v4  }
0x173: {  	v4 =	vld.idx.msk [tilespmem:v5+s1+$0x0], $0xffff;
	_ =	sdelay $0x1  }
0x174: {  	v5 =	vadd.s32 $0xFFFFFFB4, v3;
	_ =	sdelay $0x3  }
0x175: {  	[tilespmem:s13+$0x40] =	vst v4  }
0x176: {  	v4 =	vld.idx.msk [tilespmem:v5+s1+$0x0], $0xffff;
	_ =	sdelay $0x1  }
0x177: {  	v5 =	vadd.s32 $0xFFFFFFA4, v3;
	_ =	sdelay $0x3  }
0x178: {  	[tilespmem:s13+$0x50] =	vst v4  }
0x179: {  	v4 =	vld.idx.msk [tilespmem:v5+s1+$0x0], $0xffff;
	_ =	sdelay $0x1  }
0x17a: {  	v5 =	vadd.s32 $0xFFFFFF94, v3;
	_ =	sdelay $0x3  }
0x17b: {  	[tilespmem:s13+$0x60] =	vst v4  }
0x17c: {  	v4 =	vld.idx.msk [tilespmem:v5+s1+$0x0], $0xffff;
	_ =	sdelay $0x1  }
0x17d: {  	v5 =	vadd.s32 $0x5, v3;
	_ =	sdelay $0x3  }
0x17e: {  	[tilespmem:s13+$0x70] =	vst v4  }
0x17f: {  	v4 =	vld.idx.msk [tilespmem:v5+s1+$0x0], $0xffff;
	_ =	sdelay $0x1  }
0x180: {  	v5 =	vadd.s32 $0xFFFFFFF5, v3;
	_ =	sdelay $0x3  }
0x181: {  	[tilespmem:s13+$0x80] =	vst v4  }
0x182: {  	v4 =	vld.idx.msk [tilespmem:v5+s1+$0x0], $0xffff;
	_ =	sdelay $0x1  }
0x183: {  	v5 =	vadd.s32 $0xFFFFFFE5, v3;
	_ =	sdelay $0x3  }
0x184: {  	[tilespmem:s13+$0x90] =	vst v4  }
0x185: {  	v4 =	vld.idx.msk [tilespmem:v5+s1+$0x0], $0xffff;
	_ =	sdelay $0x1  }
0x186: {  	v5 =	vadd.s32 $0xFFFFFFD5, v3;
	_ =	sdelay $0x3  }
0x187: {  	[tilespmem:s13+$0xA0] =	vst v4  }
0x188: {  	v4 =	vld.idx.msk [tilespmem:v5+s1+$0x0], $0xffff;
	_ =	sdelay $0x1  }
0x189: {  	v5 =	vadd.s32 $0xFFFFFFC5, v3;
	_ =	sdelay $0x3  }
0x18a: {  	[tilespmem:s13+$0xB0] =	vst v4  }
0x18b: {  	v4 =	vld.idx.msk [tilespmem:v5+s1+$0x0], $0xffff;
	_ =	sdelay $0x1  }
0x18c: {  	v5 =	vadd.s32 $0xFFFFFFB5, v3;
	_ =	sdelay $0x3  }
0x18d: {  	[tilespmem:s13+$0xC0] =	vst v4  }
0x18e: {  	v4 =	vld.idx.msk [tilespmem:v5+s1+$0x0], $0xffff;
	_ =	sdelay $0x1  }
0x18f: {  	v5 =	vadd.s32 $0xFFFFFFA5, v3;
	_ =	sdelay $0x3  }
0x190: {  	[tilespmem:s13+$0xD0] =	vst v4  }
0x191: {  	v4 =	vld.idx.msk [tilespmem:v5+s1+$0x0], $0xffff;
	_ =	sdelay $0x1  }
0x192: {  	v5 =	vadd.s32 $0xFFFFFF95, v3;
	_ =	sdelay $0x3  }
0x193: {  	[tilespmem:s13+$0xE0] =	vst v4  }
0x194: {  	v4 =	vld.idx.msk [tilespmem:v5+s1+$0x0], $0xffff;
	_ =	sdelay $0x1  }
0x195: {  	v5 =	vadd.s32 $0x6, v3;
	_ =	sdelay $0x3  }
0x196: {  	[tilespmem:s13+$0xF0] =	vst v4  }
0x197: {  	v4 =	vld.idx.msk [tilespmem:v5+s1+$0x0], $0xffff;
	_ =	sdelay $0x1  }
0x198: {  	v5 =	vadd.s32 $0xFFFFFFF6, v3;
	_ =	sdelay $0x3  }
0x199: {  	[tilespmem:s13+$0x100] =	vst v4  }
0x19a: {  	v4 =	vld.idx.msk [tilespmem:v5+s1+$0x0], $0xffff;
	_ =	sdelay $0x1  }
0x19b: {  	v5 =	vadd.s32 $0xFFFFFFE6, v3;
	_ =	sdelay $0x3  }
0x19c: {  	[tilespmem:s13+$0x110] =	vst v4  }
0x19d: {  	v4 =	vld.idx.msk [tilespmem:v5+s1+$0x0], $0xffff;
	_ =	sdelay $0x1  }
0x19e: {  	v5 =	vadd.s32 $0xFFFFFFD6, v3;
	_ =	sdelay $0x3  }
0x19f: {  	[tilespmem:s13+$0x120] =	vst v4  }
0x1a0: {  	v4 =	vld.idx.msk [tilespmem:v5+s1+$0x0], $0xffff;
	_ =	sdelay $0x1  }
0x1a1: {  	v5 =	vadd.s32 $0xFFFFFFC6, v3;
	_ =	sdelay $0x3  }
0x1a2: {  	[tilespmem:s13+$0x130] =	vst v4  }
0x1a3: {  	v4 =	vld.idx.msk [tilespmem:v5+s1+$0x0], $0xffff;
	_ =	sdelay $0x1  }
0x1a4: {  	v5 =	vadd.s32 $0xFFFFFFB6, v3;
	_ =	sdelay $0x3  }
0x1a5: {  	[tilespmem:s13+$0x140] =	vst v4  }
0x1a6: {  	v4 =	vld.idx.msk [tilespmem:v5+s1+$0x0], $0xffff;
	_ =	sdelay $0x1  }
0x1a7: {  	v5 =	vadd.s32 $0xFFFFFFA6, v3;
	_ =	sdelay $0x3  }
0x1a8: {  	[tilespmem:s13+$0x150] =	vst v4  }
0x1a9: {  	v4 =	vld.idx.msk [tilespmem:v5+s1+$0x0], $0xffff;
	_ =	sdelay $0x1  }
0x1aa: {  	v5 =	vadd.s32 $0xFFFFFF96, v3;
	_ =	sdelay $0x3  }
0x1ab: {  	[tilespmem:s13+$0x160] =	vst v4  }
0x1ac: {  	v4 =	vld.idx.msk [tilespmem:v5+s1+$0x0], $0xffff;
	_ =	sdelay $0x1  }
0x1ad: {  	v5 =	vadd.s32 $0x7, v3;
	_ =	sdelay $0x3  }
0x1ae: {  	[tilespmem:s13+$0x170] =	vst v4  }
0x1af: {  	v4 =	vld.idx.msk [tilespmem:v5+s1+$0x0], $0xffff;
	_ =	sdelay $0x1  }
0x1b0: {  	v5 =	vadd.s32 $0xFFFFFFF7, v3;
	_ =	sdelay $0x3  }
0x1b1: {  	[tilespmem:s13+$0x180] =	vst v4  }
0x1b2: {  	v4 =	vld.idx.msk [tilespmem:v5+s1+$0x0], $0xffff;
	_ =	sdelay $0x1  }
0x1b3: {  	v5 =	vadd.s32 $0xFFFFFFE7, v3;
	_ =	sdelay $0x3  }
0x1b4: {  	[tilespmem:s13+$0x190] =	vst v4  }
0x1b5: {  	v4 =	vld.idx.msk [tilespmem:v5+s1+$0x0], $0xffff;
	_ =	sdelay $0x1  }
0x1b6: {  	v5 =	vadd.s32 $0xFFFFFFD7, v3;
	_ =	sdelay $0x3  }
0x1b7: {  	[tilespmem:s13+$0x1A0] =	vst v4  }
0x1b8: {  	v4 =	vld.idx.msk [tilespmem:v5+s1+$0x0], $0xffff;
	_ =	sdelay $0x1  }
0x1b9: {  	v5 =	vadd.s32 $0xFFFFFFC7, v3;
	_ =	sdelay $0x3  }
0x1ba: {  	[tilespmem:s13+$0x1B0] =	vst v4  }
0x1bb: {  	v4 =	vld.idx.msk [tilespmem:v5+s1+$0x0], $0xffff;
	_ =	sdelay $0x1  }
0x1bc: {  	v5 =	vadd.s32 $0xFFFFFFB7, v3;
	_ =	sdelay $0x3  }
0x1bd: {  	[tilespmem:s13+$0x1C0] =	vst v4  }
0x1be: {  	v4 =	vld.idx.msk [tilespmem:v5+s1+$0x0], $0xffff;
	_ =	sdelay $0x1  }
0x1bf: {  	v5 =	vadd.s32 $0xFFFFFFA7, v3;
	_ =	sdelay $0x3  }
0x1c0: {  	[tilespmem:s13+$0x1D0] =	vst v4  }
0x1c1: {  	v5 =	vld.idx.msk [tilespmem:v5+s1+$0x0], $0xffff;
	_ =	sdelay $0x1  }
.Ltmp0:
0x1c2: {  	v4 =	vadd.s32 $0xFFFFFF97, v3;
	(pc) =	sbr.rel @!p0 .LBB2_3-.Ltmp0, $2  }
0x1c3: {  	_ =	sdelay $0x2  }
0x1c4: {  	v3 =	vmov s14;
	s14 =	sadd.s32 $0x80, s14;
	[tilespmem:s13+$0x1E0] =	vst v5  }
0x1c5: {  	_ =	sdelay $0x2  }
0x1c6: {  	v2 =	vsub.s32 v2, v3  }
0x1c7: {  	v3 =	vld.idx.msk [tilespmem:v4+s1+$0x0], $0xffff;
	v63 =	vand.u32 $0xFFFFFF80, v2  }
0x1c8: {  	v1 =	vor.u32 v1, v63;
	_ =	sdelay $0x3  }
0x1c9: {  	[tilespmem:s13+$0x1F0] =	vst v3  }
0x1ca: {  	v1 =	vld.idx.msk [tilespmem:v1+s1+$0x0], $0xffff  }
0x1cb: {  	v3 =	vadd.s32 $0xFFFFFFF0, v2;
	_ =	sdelay $0x2  }
0x1cc: {  	s30 =	sadd.s32 $0x400, s13  }
0x1cd: {  	[tilespmem:s30+$0xFFFFFE00] =	vst v1  }
0x1ce: {  	v1 =	vld.idx.msk [tilespmem:v3+s1+$0x0], $0xffff  }
0x1cf: {  	v3 =	vadd.s32 $0xFFFFFFE0, v2;
	_ =	sdelay $0x3  }
0x1d0: {  	[tilespmem:s30+$0xFFFFFE10] =	vst v1  }
0x1d1: {  	v1 =	vld.idx.msk [tilespmem:v3+s1+$0x0], $0xffff  }
0x1d2: {  	v3 =	vadd.s32 $0xFFFFFFD0, v2;
	_ =	sdelay $0x3  }
0x1d3: {  	[tilespmem:s30+$0xFFFFFE20] =	vst v1  }
0x1d4: {  	v1 =	vld.idx.msk [tilespmem:v3+s1+$0x0], $0xffff  }
0x1d5: {  	v3 =	vadd.s32 $0xFFFFFFC0, v2;
	_ =	sdelay $0x3  }
0x1d6: {  	[tilespmem:s30+$0xFFFFFE30] =	vst v1  }
0x1d7: {  	v1 =	vld.idx.msk [tilespmem:v3+s1+$0x0], $0xffff  }
0x1d8: {  	v3 =	vadd.s32 $0xFFFFFFB0, v2;
	_ =	sdelay $0x3  }
0x1d9: {  	[tilespmem:s30+$0xFFFFFE40] =	vst v1  }
0x1da: {  	v1 =	vld.idx.msk [tilespmem:v3+s1+$0x0], $0xffff  }
0x1db: {  	v3 =	vadd.s32 $0xFFFFFFA0, v2;
	_ =	sdelay $0x3  }
0x1dc: {  	[tilespmem:s30+$0xFFFFFE50] =	vst v1  }
0x1dd: {  	v1 =	vld.idx.msk [tilespmem:v3+s1+$0x0], $0xffff  }
0x1de: {  	v3 =	vadd.s32 $0xFFFFFF90, v2;
	_ =	sdelay $0x3  }
0x1df: {  	[tilespmem:s30+$0xFFFFFE60] =	vst v1  }
0x1e0: {  	v1 =	vld.idx.msk [tilespmem:v3+s1+$0x0], $0xffff  }
0x1e1: {  	v3 =	vadd.s32 $0x1, v2;
	_ =	sdelay $0x3  }
0x1e2: {  	[tilespmem:s30+$0xFFFFFE70] =	vst v1  }
0x1e3: {  	v1 =	vld.idx.msk [tilespmem:v3+s1+$0x0], $0xffff  }
0x1e4: {  	v3 =	vadd.s32 $0xFFFFFFF1, v2;
	_ =	sdelay $0x3  }
0x1e5: {  	[tilespmem:s30+$0xFFFFFE80] =	vst v1  }
0x1e6: {  	v1 =	vld.idx.msk [tilespmem:v3+s1+$0x0], $0xffff  }
0x1e7: {  	v3 =	vadd.s32 $0xFFFFFFE1, v2;
	_ =	sdelay $0x3  }
0x1e8: {  	[tilespmem:s30+$0xFFFFFE90] =	vst v1  }
0x1e9: {  	v1 =	vld.idx.msk [tilespmem:v3+s1+$0x0], $0xffff  }
0x1ea: {  	v3 =	vadd.s32 $0xFFFFFFD1, v2;
	_ =	sdelay $0x3  }
0x1eb: {  	[tilespmem:s30+$0xFFFFFEA0] =	vst v1  }
0x1ec: {  	v1 =	vld.idx.msk [tilespmem:v3+s1+$0x0], $0xffff  }
0x1ed: {  	v3 =	vadd.s32 $0xFFFFFFC1, v2;
	_ =	sdelay $0x3  }
0x1ee: {  	[tilespmem:s30+$0xFFFFFEB0] =	vst v1  }
0x1ef: {  	v1 =	vld.idx.msk [tilespmem:v3+s1+$0x0], $0xffff  }
0x1f0: {  	v3 =	vadd.s32 $0xFFFFFFB1, v2;
	_ =	sdelay $0x3  }
0x1f1: {  	[tilespmem:s30+$0xFFFFFEC0] =	vst v1  }
0x1f2: {  	v1 =	vld.idx.msk [tilespmem:v3+s1+$0x0], $0xffff  }
0x1f3: {  	v3 =	vadd.s32 $0xFFFFFFA1, v2;
	_ =	sdelay $0x3  }
0x1f4: {  	[tilespmem:s30+$0xFFFFFED0] =	vst v1  }
0x1f5: {  	v1 =	vld.idx.msk [tilespmem:v3+s1+$0x0], $0xffff  }
0x1f6: {  	v3 =	vadd.s32 $0xFFFFFF91, v2;
	_ =	sdelay $0x3  }
0x1f7: {  	[tilespmem:s30+$0xFFFFFEE0] =	vst v1  }
0x1f8: {  	v1 =	vld.idx.msk [tilespmem:v3+s1+$0x0], $0xffff  }
0x1f9: {  	v3 =	vadd.s32 $0x2, v2;
	_ =	sdelay $0x3  }
0x1fa: {  	[tilespmem:s30+$0xFFFFFEF0] =	vst v1  }
0x1fb: {  	v1 =	vld.idx.msk [tilespmem:v3+s1+$0x0], $0xffff  }
0x1fc: {  	v3 =	vadd.s32 $0xFFFFFFF2, v2;
	_ =	sdelay $0x3  }
0x1fd: {  	[tilespmem:s30+$0xFFFFFF00] =	vst v1  }
0x1fe: {  	v1 =	vld.idx.msk [tilespmem:v3+s1+$0x0], $0xffff  }
0x1ff: {  	v3 =	vadd.s32 $0xFFFFFFE2, v2;
	_ =	sdelay $0x3  }
0x200: {  	[tilespmem:s30+$0xFFFFFF10] =	vst v1  }
0x201: {  	v1 =	vld.idx.msk [tilespmem:v3+s1+$0x0], $0xffff  }
0x202: {  	v3 =	vadd.s32 $0xFFFFFFD2, v2;
	_ =	sdelay $0x3  }
0x203: {  	[tilespmem:s30+$0xFFFFFF20] =	vst v1  }
0x204: {  	v1 =	vld.idx.msk [tilespmem:v3+s1+$0x0], $0xffff  }
0x205: {  	v3 =	vadd.s32 $0xFFFFFFC2, v2;
	_ =	sdelay $0x3  }
0x206: {  	[tilespmem:s30+$0xFFFFFF30] =	vst v1  }
0x207: {  	v1 =	vld.idx.msk [tilespmem:v3+s1+$0x0], $0xffff  }
0x208: {  	v3 =	vadd.s32 $0xFFFFFFB2, v2;
	_ =	sdelay $0x3  }
0x209: {  	[tilespmem:s30+$0xFFFFFF40] =	vst v1  }
0x20a: {  	v1 =	vld.idx.msk [tilespmem:v3+s1+$0x0], $0xffff  }
0x20b: {  	v3 =	vadd.s32 $0xFFFFFFA2, v2;
	_ =	sdelay $0x3  }
0x20c: {  	[tilespmem:s30+$0xFFFFFF50] =	vst v1  }
0x20d: {  	v1 =	vld.idx.msk [tilespmem:v3+s1+$0x0], $0xffff  }
0x20e: {  	v3 =	vadd.s32 $0xFFFFFF92, v2;
	_ =	sdelay $0x3  }
0x20f: {  	[tilespmem:s30+$0xFFFFFF60] =	vst v1  }
0x210: {  	v1 =	vld.idx.msk [tilespmem:v3+s1+$0x0], $0xffff  }
0x211: {  	v3 =	vadd.s32 $0x3, v2;
	_ =	sdelay $0x3  }
0x212: {  	[tilespmem:s30+$0xFFFFFF70] =	vst v1  }
0x213: {  	v1 =	vld.idx.msk [tilespmem:v3+s1+$0x0], $0xffff  }
0x214: {  	v3 =	vadd.s32 $0xFFFFFFF3, v2;
	_ =	sdelay $0x3  }
0x215: {  	[tilespmem:s30+$0xFFFFFF80] =	vst v1  }
0x216: {  	v1 =	vld.idx.msk [tilespmem:v3+s1+$0x0], $0xffff  }
0x217: {  	v3 =	vadd.s32 $0xFFFFFFE3, v2;
	_ =	sdelay $0x3  }
0x218: {  	[tilespmem:s30+$0xFFFFFF90] =	vst v1  }
0x219: {  	v1 =	vld.idx.msk [tilespmem:v3+s1+$0x0], $0xffff  }
0x21a: {  	v3 =	vadd.s32 $0xFFFFFFD3, v2;
	_ =	sdelay $0x3  }
0x21b: {  	[tilespmem:s30+$0xFFFFFFA0] =	vst v1  }
0x21c: {  	v1 =	vld.idx.msk [tilespmem:v3+s1+$0x0], $0xffff  }
0x21d: {  	v3 =	vadd.s32 $0xFFFFFFC3, v2;
	_ =	sdelay $0x3  }
0x21e: {  	[tilespmem:s30+$0xFFFFFFB0] =	vst v1  }
0x21f: {  	v1 =	vld.idx.msk [tilespmem:v3+s1+$0x0], $0xffff  }
0x220: {  	v3 =	vadd.s32 $0xFFFFFFB3, v2;
	_ =	sdelay $0x3  }
0x221: {  	[tilespmem:s30+$0xFFFFFFC0] =	vst v1  }
0x222: {  	v1 =	vld.idx.msk [tilespmem:v3+s1+$0x0], $0xffff  }
0x223: {  	v3 =	vadd.s32 $0xFFFFFFA3, v2;
	_ =	sdelay $0x3  }
0x224: {  	[tilespmem:s30+$0xFFFFFFD0] =	vst v1  }
0x225: {  	v1 =	vld.idx.msk [tilespmem:v3+s1+$0x0], $0xffff  }
0x226: {  	v3 =	vadd.s32 $0xFFFFFF93, v2;
	_ =	sdelay $0x3  }
0x227: {  	[tilespmem:s30+$0xFFFFFFE0] =	vst v1  }
0x228: {  	v1 =	vld.idx.msk [tilespmem:v3+s1+$0x0], $0xffff  }
0x229: {  	v3 =	vadd.s32 $0x4, v2;
	_ =	sdelay $0x3  }
0x22a: {  	[tilespmem:s30+$0xFFFFFFF0] =	vst v1  }
0x22b: {  	v1 =	vld.idx.msk [tilespmem:v3+s1+$0x0], $0xffff  }
0x22c: {  	v3 =	vadd.s32 $0xFFFFFFF4, v2;
	_ =	sdelay $0x3  }
0x22d: {  	[tilespmem:s30+$0x0] =	vst v1  }
0x22e: {  	v1 =	vld.idx.msk [tilespmem:v3+s1+$0x0], $0xffff  }
0x22f: {  	v3 =	vadd.s32 $0xFFFFFFE4, v2;
	_ =	sdelay $0x3  }
0x230: {  	[tilespmem:s30+$0x10] =	vst v1  }
0x231: {  	v1 =	vld.idx.msk [tilespmem:v3+s1+$0x0], $0xffff  }
0x232: {  	v3 =	vadd.s32 $0xFFFFFFD4, v2;
	_ =	sdelay $0x3  }
0x233: {  	[tilespmem:s30+$0x20] =	vst v1  }
0x234: {  	v1 =	vld.idx.msk [tilespmem:v3+s1+$0x0], $0xffff  }
0x235: {  	v3 =	vadd.s32 $0xFFFFFFC4, v2;
	_ =	sdelay $0x3  }
0x236: {  	[tilespmem:s30+$0x30] =	vst v1  }
0x237: {  	v1 =	vld.idx.msk [tilespmem:v3+s1+$0x0], $0xffff  }
0x238: {  	v3 =	vadd.s32 $0xFFFFFFB4, v2;
	_ =	sdelay $0x3  }
0x239: {  	[tilespmem:s30+$0x40] =	vst v1  }
0x23a: {  	v1 =	vld.idx.msk [tilespmem:v3+s1+$0x0], $0xffff  }
0x23b: {  	v3 =	vadd.s32 $0xFFFFFFA4, v2;
	_ =	sdelay $0x3  }
0x23c: {  	[tilespmem:s30+$0x50] =	vst v1  }
0x23d: {  	v1 =	vld.idx.msk [tilespmem:v3+s1+$0x0], $0xffff  }
0x23e: {  	v3 =	vadd.s32 $0xFFFFFF94, v2;
	_ =	sdelay $0x3  }
0x23f: {  	[tilespmem:s30+$0x60] =	vst v1  }
0x240: {  	v1 =	vld.idx.msk [tilespmem:v3+s1+$0x0], $0xffff  }
0x241: {  	v3 =	vadd.s32 $0x5, v2;
	_ =	sdelay $0x3  }
0x242: {  	[tilespmem:s30+$0x70] =	vst v1  }
0x243: {  	v1 =	vld.idx.msk [tilespmem:v3+s1+$0x0], $0xffff  }
0x244: {  	v3 =	vadd.s32 $0xFFFFFFF5, v2;
	_ =	sdelay $0x3  }
0x245: {  	[tilespmem:s30+$0x80] =	vst v1  }
0x246: {  	v1 =	vld.idx.msk [tilespmem:v3+s1+$0x0], $0xffff  }
0x247: {  	v3 =	vadd.s32 $0xFFFFFFE5, v2;
	_ =	sdelay $0x3  }
0x248: {  	[tilespmem:s30+$0x90] =	vst v1  }
0x249: {  	v1 =	vld.idx.msk [tilespmem:v3+s1+$0x0], $0xffff  }
0x24a: {  	v3 =	vadd.s32 $0xFFFFFFD5, v2;
	_ =	sdelay $0x3  }
0x24b: {  	[tilespmem:s30+$0xA0] =	vst v1  }
0x24c: {  	v1 =	vld.idx.msk [tilespmem:v3+s1+$0x0], $0xffff  }
0x24d: {  	v3 =	vadd.s32 $0xFFFFFFC5, v2;
	_ =	sdelay $0x3  }
0x24e: {  	[tilespmem:s30+$0xB0] =	vst v1  }
0x24f: {  	v1 =	vld.idx.msk [tilespmem:v3+s1+$0x0], $0xffff  }
0x250: {  	v3 =	vadd.s32 $0xFFFFFFB5, v2;
	_ =	sdelay $0x3  }
0x251: {  	[tilespmem:s30+$0xC0] =	vst v1  }
0x252: {  	v1 =	vld.idx.msk [tilespmem:v3+s1+$0x0], $0xffff  }
0x253: {  	v3 =	vadd.s32 $0xFFFFFFA5, v2;
	_ =	sdelay $0x3  }
0x254: {  	[tilespmem:s30+$0xD0] =	vst v1  }
0x255: {  	v1 =	vld.idx.msk [tilespmem:v3+s1+$0x0], $0xffff  }
0x256: {  	v3 =	vadd.s32 $0xFFFFFF95, v2;
	_ =	sdelay $0x3  }
0x257: {  	[tilespmem:s30+$0xE0] =	vst v1  }
0x258: {  	v1 =	vld.idx.msk [tilespmem:v3+s1+$0x0], $0xffff  }
0x259: {  	v3 =	vadd.s32 $0x6, v2;
	_ =	sdelay $0x3  }
0x25a: {  	[tilespmem:s30+$0xF0] =	vst v1  }
0x25b: {  	v1 =	vld.idx.msk [tilespmem:v3+s1+$0x0], $0xffff  }
0x25c: {  	v3 =	vadd.s32 $0xFFFFFFF6, v2;
	_ =	sdelay $0x3  }
0x25d: {  	[tilespmem:s30+$0x100] =	vst v1  }
0x25e: {  	v1 =	vld.idx.msk [tilespmem:v3+s1+$0x0], $0xffff  }
0x25f: {  	v3 =	vadd.s32 $0xFFFFFFE6, v2;
	_ =	sdelay $0x3  }
0x260: {  	[tilespmem:s30+$0x110] =	vst v1  }
0x261: {  	v1 =	vld.idx.msk [tilespmem:v3+s1+$0x0], $0xffff  }
0x262: {  	v3 =	vadd.s32 $0xFFFFFFD6, v2;
	_ =	sdelay $0x3  }
0x263: {  	[tilespmem:s30+$0x120] =	vst v1  }
0x264: {  	v1 =	vld.idx.msk [tilespmem:v3+s1+$0x0], $0xffff  }
0x265: {  	v3 =	vadd.s32 $0xFFFFFFC6, v2;
	_ =	sdelay $0x3  }
0x266: {  	[tilespmem:s30+$0x130] =	vst v1  }
0x267: {  	v1 =	vld.idx.msk [tilespmem:v3+s1+$0x0], $0xffff  }
0x268: {  	v3 =	vadd.s32 $0xFFFFFFB6, v2;
	_ =	sdelay $0x3  }
0x269: {  	[tilespmem:s30+$0x140] =	vst v1  }
0x26a: {  	v1 =	vld.idx.msk [tilespmem:v3+s1+$0x0], $0xffff  }
0x26b: {  	v3 =	vadd.s32 $0xFFFFFFA6, v2;
	_ =	sdelay $0x3  }
0x26c: {  	[tilespmem:s30+$0x150] =	vst v1  }
0x26d: {  	v1 =	vld.idx.msk [tilespmem:v3+s1+$0x0], $0xffff  }
0x26e: {  	v3 =	vadd.s32 $0xFFFFFF96, v2;
	_ =	sdelay $0x3  }
0x26f: {  	[tilespmem:s30+$0x160] =	vst v1  }
0x270: {  	v1 =	vld.idx.msk [tilespmem:v3+s1+$0x0], $0xffff  }
0x271: {  	v3 =	vadd.s32 $0x7, v2;
	_ =	sdelay $0x3  }
0x272: {  	[tilespmem:s30+$0x170] =	vst v1  }
0x273: {  	v1 =	vld.idx.msk [tilespmem:v3+s1+$0x0], $0xffff  }
0x274: {  	v3 =	vadd.s32 $0xFFFFFFF7, v2;
	_ =	sdelay $0x3  }
0x275: {  	[tilespmem:s30+$0x180] =	vst v1  }
0x276: {  	v1 =	vld.idx.msk [tilespmem:v3+s1+$0x0], $0xffff  }
0x277: {  	v3 =	vadd.s32 $0xFFFFFFE7, v2;
	_ =	sdelay $0x3  }
0x278: {  	[tilespmem:s30+$0x190] =	vst v1  }
0x279: {  	v1 =	vld.idx.msk [tilespmem:v3+s1+$0x0], $0xffff  }
0x27a: {  	v3 =	vadd.s32 $0xFFFFFFD7, v2;
	_ =	sdelay $0x3  }
0x27b: {  	[tilespmem:s30+$0x1A0] =	vst v1  }
0x27c: {  	v1 =	vld.idx.msk [tilespmem:v3+s1+$0x0], $0xffff  }
0x27d: {  	v3 =	vadd.s32 $0xFFFFFFC7, v2;
	_ =	sdelay $0x3  }
0x27e: {  	[tilespmem:s30+$0x1B0] =	vst v1  }
0x27f: {  	v1 =	vld.idx.msk [tilespmem:v3+s1+$0x0], $0xffff  }
0x280: {  	v3 =	vadd.s32 $0xFFFFFFB7, v2;
	_ =	sdelay $0x3  }
0x281: {  	[tilespmem:s30+$0x1C0] =	vst v1  }
0x282: {  	v1 =	vld.idx.msk [tilespmem:v3+s1+$0x0], $0xffff  }
0x283: {  	v3 =	vadd.s32 $0xFFFFFFA7, v2;
	_ =	sdelay $0x3  }
0x284: {  	[tilespmem:s30+$0x1D0] =	vst v1  }
0x285: {  	v1 =	vld.idx.msk [tilespmem:v3+s1+$0x0], $0xffff  }
0x286: {  	v2 =	vadd.s32 $0xFFFFFF97, v2;
	_ =	sdelay $0x3  }
0x287: {  	[tilespmem:s30+$0x1E0] =	vst v1  }
0x288: {  	v1 =	vld.idx.msk [tilespmem:v2+s1+$0x0], $0xffff;
	_ =	sdelay $0x2  }
0x289: {  	s12 =	sshrl.u32 s12, $0x2  }
0x28a: {  	s12 =	sor.u32 $0x8000, s12  }
0x28b: {  	s14 =	smov.u32 s10;
	s31 =	sadd.s32 $0x3C00, s12;
	s13 =	simm.s32 $0xE000;
	[tilespmem:s30+$0x1F0] =	vst v1  }
0x28c: {  	[hbm4b:s10+s1] =	stream.linear.scatter [tilespmem:s31], [sflag:$0x1], $0x4000, $0x38;
	[tilespmem:$0x17800] =	vst v63  }
.LBB2_5:
0x28d: {  	p0 =	sne.s32 s13, $0x0  }
.Ltmp1:
0x28e: {  	_ = 	snop;
	(pc) =	sbr.rel @p0 .LBB2_5-.Ltmp1, $4  }
0x28f: {  	_ = 	snop  }
0x290: {  	s15 =	sshra.s32 s13, $0x2;
	s13 =	sadd.s32 $0xFFFFF000, s13  }
0x291: {  	s14 =	sadd.s32 $0x8000, s14;
	s15 =	sadd.s32 s15, s12  }
0x292: {  	[hbm4b:s14+s1] =	stream.linear.scatter [tilespmem:s15], [sflag:$0x1], $0x4000, $0x38;
	[tilespmem:$0x17800] =	vst v63  }
0x293: {  	s11 =	sadd.s32 $0x1, s11  }
0x294: {  	p0 =	sne.s32 s11, $0x8  }
.Ltmp2:
0x295: {  	_ = 	snop;
	(pc) =	sbr.rel @p0 .LBB2_2-.Ltmp2, $2  }
0x296: {  	_ =	sdelay $0x2  }
0x297: {  	s10 =	sadd.s32 $0x80000, s10  }
0x298: {  	_ =	swait.ge [sflag:s8], $0x4000  }
0x299: {  	[sflag:s8] =	ssyncset.done $0x0  }
0x29a: {  	[sflag:s8] =	ssyncadd.s32 $0xFFFFC000  }
0x29b: {  	_ =	swait.ge [sflag:s8], $0x4000  }
0x29c: {  	[sflag:s8] =	ssyncset.done $0x0  }
0x29d: {  	[sflag:s8] =	ssyncadd.s32 $0xFFFFC000  }
0x29e: {  	_ =	swait.ge [sflag:s8], $0x4000  }
0x29f: {  	[sflag:s8] =	ssyncset.done $0x0  }
0x2a0: {  	[sflag:s8] =	ssyncadd.s32 $0xFFFFC000  }
0x2a1: {  	_ =	swait.ge [sflag:s8], $0x4000  }
0x2a2: {  	[sflag:s8] =	ssyncset.done $0x0  }
0x2a3: {  	[sflag:s8] =	ssyncadd.s32 $0xFFFFC000  }
0x2a4: {  	_ =	swait.ge [sflag:s8], $0x4000  }
0x2a5: {  	[sflag:s8] =	ssyncset.done $0x0  }
0x2a6: {  	[sflag:s8] =	ssyncadd.s32 $0xFFFFC000  }
0x2a7: {  	_ =	swait.ge [sflag:s8], $0x4000  }
0x2a8: {  	[sflag:s8] =	ssyncset.done $0x0  }
0x2a9: {  	[sflag:s8] =	ssyncadd.s32 $0xFFFFC000  }
0x2aa: {  	_ =	swait.ge [sflag:s8], $0x4000  }
0x2ab: {  	[sflag:s8] =	ssyncset.done $0x0  }
0x2ac: {  	[sflag:s8] =	ssyncadd.s32 $0xFFFFC000  }
0x2ad: {  	_ =	swait.ge [sflag:s8], $0x4000  }
0x2ae: {  	[sflag:s8] =	ssyncset.done $0x0  }
0x2af: {  	[sflag:s8] =	ssyncadd.s32 $0xFFFFC000  }
0x2b0: {  	_ =	swait.ge [sflag:s8], $0x4000  }
0x2b1: {  	[sflag:s8] =	ssyncset.done $0x0  }
0x2b2: {  	[sflag:s8] =	ssyncadd.s32 $0xFFFFC000  }
0x2b3: {  	_ =	swait.ge [sflag:s8], $0x4000  }
0x2b4: {  	[sflag:s8] =	ssyncset.done $0x0  }
0x2b5: {  	[sflag:s8] =	ssyncadd.s32 $0xFFFFC000  }
0x2b6: {  	_ =	swait.ge [sflag:s8], $0x4000  }
0x2b7: {  	[sflag:s8] =	ssyncset.done $0x0  }
0x2b8: {  	[sflag:s8] =	ssyncadd.s32 $0xFFFFC000  }
0x2b9: {  	_ =	swait.ge [sflag:s8], $0x4000  }
0x2ba: {  	[sflag:s8] =	ssyncset.done $0x0  }
0x2bb: {  	[sflag:s8] =	ssyncadd.s32 $0xFFFFC000  }
0x2bc: {  	_ =	swait.ge [sflag:s8], $0x4000  }
0x2bd: {  	[sflag:s8] =	ssyncset.done $0x0  }
0x2be: {  	[sflag:s8] =	ssyncadd.s32 $0xFFFFC000  }
0x2bf: {  	_ =	swait.ge [sflag:s8], $0x4000  }
0x2c0: {  	[sflag:s8] =	ssyncset.done $0x0  }
0x2c1: {  	[sflag:s8] =	ssyncadd.s32 $0xFFFFC000  }
0x2c2: {  	_ =	swait.ge [sflag:s8], $0x4000  }
0x2c3: {  	[sflag:s8] =	ssyncset.done $0x0  }
0x2c4: {  	[sflag:s8] =	ssyncadd.s32 $0xFFFFC000  }
0x2c5: {  	_ =	swait.ge [sflag:s8], $0x4000  }
0x2c6: {  	[sflag:s8] =	ssyncset.done $0x0  }
0x2c7: {  	[sflag:s8] =	ssyncadd.s32 $0xFFFFC000  }
0x2c8: {  	_ =	swait.ge [sflag:s8], $0x4000  }
0x2c9: {  	[sflag:s8] =	ssyncset.done $0x0  }
0x2ca: {  	[sflag:s8] =	ssyncadd.s32 $0xFFFFC000  }
0x2cb: {  	_ =	swait.ge [sflag:s8], $0x4000  }
0x2cc: {  	[sflag:s8] =	ssyncset.done $0x0  }
0x2cd: {  	[sflag:s8] =	ssyncadd.s32 $0xFFFFC000  }
0x2ce: {  	_ =	swait.ge [sflag:s8], $0x4000  }
0x2cf: {  	[sflag:s8] =	ssyncset.done $0x0  }
0x2d0: {  	[sflag:s8] =	ssyncadd.s32 $0xFFFFC000  }
0x2d1: {  	_ =	swait.ge [sflag:s8], $0x4000  }
0x2d2: {  	[sflag:s8] =	ssyncset.done $0x0  }
0x2d3: {  	[sflag:s8] =	ssyncadd.s32 $0xFFFFC000  }
0x2d4: {  	_ =	swait.ge [sflag:s8], $0x4000  }
0x2d5: {  	[sflag:s8] =	ssyncset.done $0x0  }
0x2d6: {  	[sflag:s8] =	ssyncadd.s32 $0xFFFFC000  }
0x2d7: {  	_ =	swait.ge [sflag:s8], $0x4000  }
0x2d8: {  	[sflag:s8] =	ssyncset.done $0x0  }
0x2d9: {  	[sflag:s8] =	ssyncadd.s32 $0xFFFFC000  }
0x2da: {  	_ =	swait.ge [sflag:s8], $0x4000  }
0x2db: {  	[sflag:s8] =	ssyncset.done $0x0  }
0x2dc: {  	[sflag:s8] =	ssyncadd.s32 $0xFFFFC000  }
0x2dd: {  	_ =	swait.ge [sflag:s8], $0x4000  }
0x2de: {  	[sflag:s8] =	ssyncset.done $0x0  }
0x2df: {  	[sflag:s8] =	ssyncadd.s32 $0xFFFFC000  }
0x2e0: {  	_ =	swait.ge [sflag:s8], $0x4000  }
0x2e1: {  	[sflag:s8] =	ssyncset.done $0x0  }
0x2e2: {  	[sflag:s8] =	ssyncadd.s32 $0xFFFFC000  }
0x2e3: {  	_ =	swait.ge [sflag:s8], $0x4000  }
0x2e4: {  	[sflag:s8] =	ssyncset.done $0x0  }
0x2e5: {  	[sflag:s8] =	ssyncadd.s32 $0xFFFFC000  }
0x2e6: {  	_ =	swait.ge [sflag:s8], $0x4000  }
0x2e7: {  	[sflag:s8] =	ssyncset.done $0x0  }
0x2e8: {  	[sflag:s8] =	ssyncadd.s32 $0xFFFFC000  }
0x2e9: {  	_ =	swait.ge [sflag:s8], $0x4000  }
0x2ea: {  	[sflag:s8] =	ssyncset.done $0x0  }
0x2eb: {  	[sflag:s8] =	ssyncadd.s32 $0xFFFFC000  }
0x2ec: {  	_ =	swait.ge [sflag:s8], $0x4000  }
0x2ed: {  	[sflag:s8] =	ssyncset.done $0x0  }
0x2ee: {  	[sflag:s8] =	ssyncadd.s32 $0xFFFFC000  }
0x2ef: {  	_ =	swait.ge [sflag:s8], $0x4000  }
0x2f0: {  	[sflag:s8] =	ssyncset.done $0x0  }
0x2f1: {  	s9 =	sadd.s32 $0x1, s9;
	[sflag:s8] =	ssyncadd.s32 $0xFFFFC000  }
0x2f2: {  	p0 =	sne.s32 s9, s5;
	_ =	swait.ge [sflag:s8], $0x4000  }
.Ltmp3:
0x2f3: {  	[sflag:s8] =	ssyncset.done $0x0;
	(pc) =	sbr.rel @p0 .LBB2_1-.Ltmp3, $4  }
0x2f4: {  	[sflag:s8] =	ssyncadd.s32 $0xFFFFC000  }
0x2f5: {  	_ =	swait.ge [sflag:s8], $0x4000  }
0x2f6: {  	[sflag:s8] =	ssyncset.done $0x0  }
0x2f7: {  	[sflag:s8] =	ssyncadd.s32 $0xFFFFC000  }
0x2f8: {  	_ =	sfence.sel $0x180000  }
0x2f9: {  	[bflag:$0x0] =	sbarrier.arrive $0xFFFF  }
0x2fa: {  	p0 =	sne.s32 s2, $0x0;
	_ =	strace $0x90000047  }
0x2fb: {  	s0 =	sadd.s32 @!p0 $0x100000, s0;
	[bflag:$0x2] =	sbarrier.arrive $0xFFFF  }
0x2fc: {  	[sflag:s0] =	ssyncadd.tile.s32 @!p0 $0x1;
	_ =	shalt  }
.Lfunc_end2:
_tile_overlayer_lowered:
.L_overlay_start_2:
0x2fd: {  	(tag) =	ssettag $0x2  }
0x2fe: {  	s0 =	rddreg [dreg:$0x0];
	s2 =	stileid.u32  }
0x2ff: {  	s1 =	rddreg [dreg:$0x1];
	p0 =	sne.s32 s2, $0x0  }
0x300: {  	s3 =	rddreg [dreg:$0x2];
	[bflag:$0x3] =	sbarrier.arrive $0xFFFF;
	s2 =	simm.s32 @!p0 $0x1C02  }
0x301: {  	[timem:s3], [sflag:s2] =	dma.local @!p0 [hbm:s0], s1  }
0x302: {  	s0 =	simm.s32 @!p0 $0x2  }
0x303: {  	_ =	swait.ge @!p0 [sflag:s0], s1  }
0x304: {  	s1 =	ssub.s32 @!p0 $0x0, s1;
	[sflag:s0] =	ssyncset.done @!p0 $0x0  }
0x305: {  	[sflag:s0] =	ssyncadd.s32 @!p0 s1  }
0x306: {  	[bflag:$0x3] =	sbarrier.arrive $0xFFFF  }
0x307: {  	_ =	shalt  }

</sc_bundles>
